<compile_context>
chip_gen: v7x
topology: tpu7x:2x2x1
jax: 0.10.2.dev20260603
libtpu: 0.0.44.dev20260713+nightly
codegen_flags: <defaults>
</compile_context>

<pallas_src>
import functools

import jax
import jax.numpy as jnp
from jax import lax
from jax.experimental import pallas as pl
from jax.experimental.pallas import tpu as pltpu
from jax.experimental.pallas import tpu_sc as plsc

EMBED_DIM = 64
NUM_CORES = 2
NUM_SUBCORES = 16
NUM_WORKERS = NUM_CORES * NUM_SUBCORES
BBLK = 128
NBUF = 4
TBUF = 2


@functools.partial(jax.jit, static_argnames=("n_l",))
def _sc_embedding_lookup(ids, weight, *, n_l):
    lt_n = n_l // 8
    mesh = plsc.VectorSubcoreMesh(core_axis_name="c", subcore_axis_name="s")

    @functools.partial(
        pl.kernel,
        mesh=mesh,
        out_type=jax.ShapeDtypeStruct(
            (n_l, EMBED_DIM // 8, NUM_WORKERS, 8, BBLK), jnp.float32
        ),
        scratch_types=[
            pltpu.VMEM((lt_n, 8, BBLK), jnp.int32),
            pltpu.VMEM((NBUF, BBLK, EMBED_DIM), jnp.float32),
            pltpu.VMEM((TBUF, EMBED_DIM // 8, 8, BBLK + 1), jnp.float32),
            pltpu.SemaphoreType.DMA((NBUF,)),
            pltpu.SemaphoreType.DMA((TBUF,)),
        ],
        compiler_params=pltpu.CompilerParams(
            use_tc_tiling_on_sc=False, needs_layout_passes=False
        ),
    )
    def body(ids_hbm, w_hbm, out_hbm, idx_v, rows_v, tps_v, gsem, tsem):
        wid = lax.axis_index("s") * NUM_CORES + lax.axis_index("c")

        pltpu.sync_copy(ids_hbm.at[:, wid], idx_v)

        def fire_gather(j, slot):
            row = idx_v.at[j // 8, j % 8]
            pltpu.async_copy(w_hbm.at[row], rows_v.at[slot], gsem.at[slot])

        def wait_gather(slot):
            pltpu.make_async_copy(
                w_hbm.at[idx_v.at[0, 0]], rows_v.at[slot], gsem.at[slot]
            ).wait()

        def fire_store(l, t):
            pltpu.async_copy(
                tps_v.at[t, :, :, pl.ds(0, BBLK)], out_hbm.at[l, :, wid], tsem.at[t]
            )

        def wait_store(t):
            pltpu.make_async_copy(
                tps_v.at[t, :, :, pl.ds(0, BBLK)], out_hbm.at[0, :, 0], tsem.at[t]
            ).wait()

        iota = lax.iota(jnp.int32, 16)
        seg_d = [iota + 16 * k for k in range(EMBED_DIM // 16)]
        idx_dt = [sd // 8 for sd in seg_d]
        idx_ds = [sd % 8 for sd in seg_d]

        def transpose_block(s, t):
            src = rows_v.at[s]
            dst = tps_v.at[t]

            @plsc.parallel_loop(0, BBLK, unroll=8)
            def _(bl):
                col = jnp.broadcast_to(bl, (16,))
                row = src.at[bl]
                for k in range(EMBED_DIM // 16):
                    vals = row[pl.ds(16 * k, 16)]
                    plsc.store_scatter(dst, [idx_dt[k], idx_ds[k], col], vals)

        for j in range(NBUF - 1):
            fire_gather(j, j)

        def step(l, carry):
            s = l % NBUF
            t = l % TBUF

            @pl.when(l < n_l - (NBUF - 1))
            def _():
                fire_gather(l + NBUF - 1, (l + NBUF - 1) % NBUF)

            wait_gather(s)

            @pl.when(l >= TBUF)
            def _():
                wait_store(t)

            transpose_block(s, t)
            fire_store(l, t)
            return carry

        lax.fori_loop(0, n_l, step, 0)
        for t in range(TBUF):
            wait_store(t)

    return body(ids, weight)


def kernel(token_ids, weight):
    B, L = token_ids.shape
    assert B // BBLK == NUM_WORKERS and B % BBLK == 0
    assert L % 8 == 0 and EMBED_DIM % 8 == 0
    ids_view = (
        token_ids.astype(jnp.int32)
        .T.reshape(L // 8, 8, B // BBLK, BBLK)
        .transpose(0, 2, 1, 3)
    )
    out5 = _sc_embedding_lookup(ids_view, weight, n_l=L)
    return out5.transpose(2, 4, 0, 1, 3).reshape(B, L, EMBED_DIM)

# --- scband reference (transcript-rebuilt; emitter-appended) ---
"""Pipeline reference for scband-embedding-36687610643088 (READ-ONLY COPY).

The authoritative reference and input builder live on the scoring server;
editing this copy changes nothing except your own understanding.
"""

import jax, jax.numpy as jnp
import numpy as np

NUM_EMBEDDINGS = 1000000
EMBEDDING_DIM = 64

def setup_inputs(seed: int = 0) -> dict:
    key = jax.random.key(seed)
    k_idx, k_w = jax.random.split(key)
    token_ids = jax.random.randint(k_idx, (4096, 200), 0, NUM_EMBEDDINGS, dtype=jnp.int64 if jax.config.jax_enable_x64 else jnp.int32)
    weight = jax.random.normal(k_w, (NUM_EMBEDDINGS, EMBEDDING_DIM), dtype=jnp.float32)
    return {"token_ids": token_ids, "weight": weight}

def reference(token_ids, weight):
    # Embedding lookup: out[b, l, :] = weight[token_ids[b, l], :]
    return jnp.take(weight, token_ids, axis=0)

if __name__ == "__main__":
    import jax
    _d = setup_inputs()
    print(jax.jit(kernel)(*tuple(_d.values())))

</pallas_src>

<mosaic_0001>
#map = affine_map<(d0, d1) -> (0, 0, 0, 0)>
#map1 = affine_map<(d0, d1) -> (0, 0)>
#map2 = affine_map<(d0, d1) -> (0, 0, 0, 0, 0)>
module attributes {stable_mosaic.version = 14 : i64} {
  func.func @body(%arg0: i32, %arg1: i32, %arg2: memref<25x32x8x128xi32, #tpu.memory_space<hbm>>, %arg3: memref<1000000x64xf32, #tpu.memory_space<hbm>>, %arg4: memref<200x8x32x8x128xf32, #tpu.memory_space<hbm>>, %arg5: memref<25x8x128xi32, #tpu.memory_space<vmem>>, %arg6: memref<4x128x64xf32, #tpu.memory_space<vmem>>, %arg7: memref<2x8x8x129xf32, #tpu.memory_space<vmem>>, %arg8: memref<4x!tpu.dma_semaphore, #tpu.memory_space<semaphore_mem>>, %arg9: memref<2x!tpu.dma_semaphore, #tpu.memory_space<semaphore_mem>>) attributes {dimension_semantics = [#tpu.dimension_semantics<core_parallel>, #tpu.dimension_semantics<subcore_parallel>], iteration_bounds = array<i64: 2, 16>, scalar_prefetch = 0 : i64, scratch_operands = 5 : i64, tpu.core_type = #tpu.core_type<sc_vector_subcore>, window_params = [{transform_indices = #map}, {transform_indices = #map1}, {transform_indices = #map2}]} {
    %mul3A = arith.constant 2 : i32
    %mul3A_0 = arith.muli %arg1, %mul3A : i32
    %add3A = arith.addi %mul3A_0, %arg0 : i32
    "tpu.region"() ({
      %run_scoped3A = tpu.sem_alloc : memref<!tpu.dma_semaphore, #tpu.memory_space<semaphore_mem>>
      %dma_start3A_318 = arith.constant 0 : i32
      %dma_start3A_319 = arith.constant 0 : i32
      %dma_start3A_320 = arith.constant 0 : i32
      %dma_start3A_321 = tpu.memref_slice %arg2[%dma_start3A_318, %add3A, %dma_start3A_319, %dma_start3A_320] : memref<25x32x8x128xi32, #tpu.memory_space<hbm>> -> memref<25x1x8x128xi32, #tpu.memory_space<hbm>>
      %dma_start3A_322 = tpu.memref_squeeze %dma_start3A_321 : memref<25x1x8x128xi32, #tpu.memory_space<hbm>> -> memref<25x8x128xi32, #tpu.memory_space<hbm>>
      %dma_start3A_323 = arith.constant 0 : i32
      %dma_start3A_324 = arith.constant 0 : i32
      %dma_start3A_325 = arith.constant 0 : i32
      %dma_start3A_326 = tpu.memref_slice %arg2[%dma_start3A_323, %add3A, %dma_start3A_324, %dma_start3A_325] : memref<25x32x8x128xi32, #tpu.memory_space<hbm>> -> memref<25x1x8x128xi32, #tpu.memory_space<hbm>>
      %dma_start3A_327 = tpu.memref_squeeze %dma_start3A_326 : memref<25x1x8x128xi32, #tpu.memory_space<hbm>> -> memref<25x8x128xi32, #tpu.memory_space<hbm>>
      tpu.enqueue_dma source(%dma_start3A_327 : memref<25x8x128xi32, #tpu.memory_space<hbm>>) target(%arg5 : memref<25x8x128xi32, #tpu.memory_space<vmem>>) target_semaphore(%run_scoped3A : memref<!tpu.dma_semaphore, #tpu.memory_space<semaphore_mem>>)
      %dma_wait3A_328 = arith.constant 0 : i32
      %dma_wait3A_329 = arith.constant 0 : i32
      %dma_wait3A_330 = arith.constant 0 : i32
      %dma_wait3A_331 = tpu.memref_slice %arg2[%dma_wait3A_328, %add3A, %dma_wait3A_329, %dma_wait3A_330] : memref<25x32x8x128xi32, #tpu.memory_space<hbm>> -> memref<25x1x8x128xi32, #tpu.memory_space<hbm>>
      %dma_wait3A_332 = tpu.memref_squeeze %dma_wait3A_331 : memref<25x1x8x128xi32, #tpu.memory_space<hbm>> -> memref<25x8x128xi32, #tpu.memory_space<hbm>>
      %dma_wait3A_333 = arith.constant 0 : i32
      %dma_wait3A_334 = arith.constant 0 : i32
      %dma_wait3A_335 = arith.constant 0 : i32
      %dma_wait3A_336 = tpu.memref_slice %arg2[%dma_wait3A_333, %add3A, %dma_wait3A_334, %dma_wait3A_335] : memref<25x32x8x128xi32, #tpu.memory_space<hbm>> -> memref<25x1x8x128xi32, #tpu.memory_space<hbm>>
      %dma_wait3A_337 = tpu.memref_squeeze %dma_wait3A_336 : memref<25x1x8x128xi32, #tpu.memory_space<hbm>> -> memref<25x8x128xi32, #tpu.memory_space<hbm>>
      tpu.wait_dma2 semaphore(%run_scoped3A : memref<!tpu.dma_semaphore, #tpu.memory_space<semaphore_mem>>) src(%dma_wait3A_337 : memref<25x8x128xi32, #tpu.memory_space<hbm>>) dst(%arg5 : memref<25x8x128xi32, #tpu.memory_space<vmem>>)
      tpu.yield
    }) : () -> ()
    %iota3A = tpu.iota {dimensions = array<i32: 0>} : vector<16xi32>
    %add3A_1 = arith.constant 0 : i32
    %add3A_2 = vector.broadcast %add3A_1 : i32 to vector<16xi32>
    %add3A_3 = arith.addi %iota3A, %add3A_2 : vector<16xi32>
    %add3A_4 = arith.constant 16 : i32
    %add3A_5 = vector.broadcast %add3A_4 : i32 to vector<16xi32>
    %add3A_6 = arith.addi %iota3A, %add3A_5 : vector<16xi32>
    %add3A_7 = arith.constant 32 : i32
    %add3A_8 = vector.broadcast %add3A_7 : i32 to vector<16xi32>
    %add3A_9 = arith.addi %iota3A, %add3A_8 : vector<16xi32>
    %add3A_10 = arith.constant 48 : i32
    %add3A_11 = vector.broadcast %add3A_10 : i32 to vector<16xi32>
    %add3A_12 = arith.addi %iota3A, %add3A_11 : vector<16xi32>
    %jit3A = arith.constant 8 : i32
    %div3A = vector.broadcast %jit3A : i32 to vector<16xi32>
    %div3A_13 = arith.divsi %add3A_3, %div3A : vector<16xi32>
    %sign3A = arith.constant 0 : i32
    %sign3A_14 = vector.broadcast %sign3A : i32 to vector<16xi32>
    %sign3A_15 = arith.cmpi sgt, %add3A_3, %sign3A_14 : vector<16xi32>
    %sign3A_16 = arith.extui %sign3A_15 : vector<16xi1> to vector<16xi32>
    %sign3A_17 = arith.constant 0 : i32
    %sign3A_18 = vector.broadcast %sign3A_17 : i32 to vector<16xi32>
    %sign3A_19 = arith.cmpi slt, %add3A_3, %sign3A_18 : vector<16xi32>
    %sign3A_20 = arith.extui %sign3A_19 : vector<16xi1> to vector<16xi32>
    %sign3A_21 = arith.subi %sign3A_16, %sign3A_20 : vector<16xi32>
    %sign3A_22 = arith.constant 0 : i32
    %sign3A_23 = arith.cmpi sgt, %jit3A, %sign3A_22 : i32
    %sign3A_24 = arith.extui %sign3A_23 : i1 to i32
    %sign3A_25 = arith.constant 0 : i32
    %sign3A_26 = arith.cmpi slt, %jit3A, %sign3A_25 : i32
    %sign3A_27 = arith.extui %sign3A_26 : i1 to i32
    %sign3A_28 = arith.subi %sign3A_24, %sign3A_27 : i32
    %ne3A = vector.broadcast %sign3A_28 : i32 to vector<16xi32>
    %ne3A_29 = arith.cmpi ne, %sign3A_21, %ne3A : vector<16xi32>
    %rem3A = vector.broadcast %jit3A : i32 to vector<16xi32>
    %rem3A_30 = arith.remsi %add3A_3, %rem3A : vector<16xi32>
    %ne3A_31 = arith.constant 0 : i32
    %ne3A_32 = vector.broadcast %ne3A_31 : i32 to vector<16xi32>
    %ne3A_33 = arith.cmpi ne, %rem3A_30, %ne3A_32 : vector<16xi32>
    %and3A = arith.andi %ne3A_29, %ne3A_33 : vector<16xi1>
    %sub3A = arith.constant 1 : i32
    %sub3A_34 = vector.broadcast %sub3A : i32 to vector<16xi32>
    %sub3A_35 = arith.subi %div3A_13, %sub3A_34 : vector<16xi32>
    %select_n3A = arith.select %and3A, %sub3A_35, %div3A_13 : vector<16xi1>, vector<16xi32>
    %jit3A_36 = arith.constant 8 : i32
    %div3A_37 = vector.broadcast %jit3A_36 : i32 to vector<16xi32>
    %div3A_38 = arith.divsi %add3A_6, %div3A_37 : vector<16xi32>
    %sign3A_39 = arith.constant 0 : i32
    %sign3A_40 = vector.broadcast %sign3A_39 : i32 to vector<16xi32>
    %sign3A_41 = arith.cmpi sgt, %add3A_6, %sign3A_40 : vector<16xi32>
    %sign3A_42 = arith.extui %sign3A_41 : vector<16xi1> to vector<16xi32>
    %sign3A_43 = arith.constant 0 : i32
    %sign3A_44 = vector.broadcast %sign3A_43 : i32 to vector<16xi32>
    %sign3A_45 = arith.cmpi slt, %add3A_6, %sign3A_44 : vector<16xi32>
    %sign3A_46 = arith.extui %sign3A_45 : vector<16xi1> to vector<16xi32>
    %sign3A_47 = arith.subi %sign3A_42, %sign3A_46 : vector<16xi32>
    %sign3A_48 = arith.constant 0 : i32
    %sign3A_49 = arith.cmpi sgt, %jit3A_36, %sign3A_48 : i32
    %sign3A_50 = arith.extui %sign3A_49 : i1 to i32
    %sign3A_51 = arith.constant 0 : i32
    %sign3A_52 = arith.cmpi slt, %jit3A_36, %sign3A_51 : i32
    %sign3A_53 = arith.extui %sign3A_52 : i1 to i32
    %sign3A_54 = arith.subi %sign3A_50, %sign3A_53 : i32
    %ne3A_55 = vector.broadcast %sign3A_54 : i32 to vector<16xi32>
    %ne3A_56 = arith.cmpi ne, %sign3A_47, %ne3A_55 : vector<16xi32>
    %rem3A_57 = vector.broadcast %jit3A_36 : i32 to vector<16xi32>
    %rem3A_58 = arith.remsi %add3A_6, %rem3A_57 : vector<16xi32>
    %ne3A_59 = arith.constant 0 : i32
    %ne3A_60 = vector.broadcast %ne3A_59 : i32 to vector<16xi32>
    %ne3A_61 = arith.cmpi ne, %rem3A_58, %ne3A_60 : vector<16xi32>
    %and3A_62 = arith.andi %ne3A_56, %ne3A_61 : vector<16xi1>
    %sub3A_63 = arith.constant 1 : i32
    %sub3A_64 = vector.broadcast %sub3A_63 : i32 to vector<16xi32>
    %sub3A_65 = arith.subi %div3A_38, %sub3A_64 : vector<16xi32>
    %select_n3A_66 = arith.select %and3A_62, %sub3A_65, %div3A_38 : vector<16xi1>, vector<16xi32>
    %jit3A_67 = arith.constant 8 : i32
    %div3A_68 = vector.broadcast %jit3A_67 : i32 to vector<16xi32>
    %div3A_69 = arith.divsi %add3A_9, %div3A_68 : vector<16xi32>
    %sign3A_70 = arith.constant 0 : i32
    %sign3A_71 = vector.broadcast %sign3A_70 : i32 to vector<16xi32>
    %sign3A_72 = arith.cmpi sgt, %add3A_9, %sign3A_71 : vector<16xi32>
    %sign3A_73 = arith.extui %sign3A_72 : vector<16xi1> to vector<16xi32>
    %sign3A_74 = arith.constant 0 : i32
    %sign3A_75 = vector.broadcast %sign3A_74 : i32 to vector<16xi32>
    %sign3A_76 = arith.cmpi slt, %add3A_9, %sign3A_75 : vector<16xi32>
    %sign3A_77 = arith.extui %sign3A_76 : vector<16xi1> to vector<16xi32>
    %sign3A_78 = arith.subi %sign3A_73, %sign3A_77 : vector<16xi32>
    %sign3A_79 = arith.constant 0 : i32
    %sign3A_80 = arith.cmpi sgt, %jit3A_67, %sign3A_79 : i32
    %sign3A_81 = arith.extui %sign3A_80 : i1 to i32
    %sign3A_82 = arith.constant 0 : i32
    %sign3A_83 = arith.cmpi slt, %jit3A_67, %sign3A_82 : i32
    %sign3A_84 = arith.extui %sign3A_83 : i1 to i32
    %sign3A_85 = arith.subi %sign3A_81, %sign3A_84 : i32
    %ne3A_86 = vector.broadcast %sign3A_85 : i32 to vector<16xi32>
    %ne3A_87 = arith.cmpi ne, %sign3A_78, %ne3A_86 : vector<16xi32>
    %rem3A_88 = vector.broadcast %jit3A_67 : i32 to vector<16xi32>
    %rem3A_89 = arith.remsi %add3A_9, %rem3A_88 : vector<16xi32>
    %ne3A_90 = arith.constant 0 : i32
    %ne3A_91 = vector.broadcast %ne3A_90 : i32 to vector<16xi32>
    %ne3A_92 = arith.cmpi ne, %rem3A_89, %ne3A_91 : vector<16xi32>
    %and3A_93 = arith.andi %ne3A_87, %ne3A_92 : vector<16xi1>
    %sub3A_94 = arith.constant 1 : i32
    %sub3A_95 = vector.broadcast %sub3A_94 : i32 to vector<16xi32>
    %sub3A_96 = arith.subi %div3A_69, %sub3A_95 : vector<16xi32>
    %select_n3A_97 = arith.select %and3A_93, %sub3A_96, %div3A_69 : vector<16xi1>, vector<16xi32>
    %jit3A_98 = arith.constant 8 : i32
    %div3A_99 = vector.broadcast %jit3A_98 : i32 to vector<16xi32>
    %div3A_100 = arith.divsi %add3A_12, %div3A_99 : vector<16xi32>
    %sign3A_101 = arith.constant 0 : i32
    %sign3A_102 = vector.broadcast %sign3A_101 : i32 to vector<16xi32>
    %sign3A_103 = arith.cmpi sgt, %add3A_12, %sign3A_102 : vector<16xi32>
    %sign3A_104 = arith.extui %sign3A_103 : vector<16xi1> to vector<16xi32>
    %sign3A_105 = arith.constant 0 : i32
    %sign3A_106 = vector.broadcast %sign3A_105 : i32 to vector<16xi32>
    %sign3A_107 = arith.cmpi slt, %add3A_12, %sign3A_106 : vector<16xi32>
    %sign3A_108 = arith.extui %sign3A_107 : vector<16xi1> to vector<16xi32>
    %sign3A_109 = arith.subi %sign3A_104, %sign3A_108 : vector<16xi32>
    %sign3A_110 = arith.constant 0 : i32
    %sign3A_111 = arith.cmpi sgt, %jit3A_98, %sign3A_110 : i32
    %sign3A_112 = arith.extui %sign3A_111 : i1 to i32
    %sign3A_113 = arith.constant 0 : i32
    %sign3A_114 = arith.cmpi slt, %jit3A_98, %sign3A_113 : i32
    %sign3A_115 = arith.extui %sign3A_114 : i1 to i32
    %sign3A_116 = arith.subi %sign3A_112, %sign3A_115 : i32
    %ne3A_117 = vector.broadcast %sign3A_116 : i32 to vector<16xi32>
    %ne3A_118 = arith.cmpi ne, %sign3A_109, %ne3A_117 : vector<16xi32>
    %rem3A_119 = vector.broadcast %jit3A_98 : i32 to vector<16xi32>
    %rem3A_120 = arith.remsi %add3A_12, %rem3A_119 : vector<16xi32>
    %ne3A_121 = arith.constant 0 : i32
    %ne3A_122 = vector.broadcast %ne3A_121 : i32 to vector<16xi32>
    %ne3A_123 = arith.cmpi ne, %rem3A_120, %ne3A_122 : vector<16xi32>
    %and3A_124 = arith.andi %ne3A_118, %ne3A_123 : vector<16xi1>
    %sub3A_125 = arith.constant 1 : i32
    %sub3A_126 = vector.broadcast %sub3A_125 : i32 to vector<16xi32>
    %sub3A_127 = arith.subi %div3A_100, %sub3A_126 : vector<16xi32>
    %select_n3A_128 = arith.select %and3A_124, %sub3A_127, %div3A_100 : vector<16xi1>, vector<16xi32>
    %jit3A_129 = arith.constant 8 : i32
    %eq3A = arith.constant 0 : i32
    %eq3A_130 = arith.cmpi eq, %jit3A_129, %eq3A : i32
    %jit3A_131 = arith.constant 1 : i32
    %select_n3A_132 = arith.select %eq3A_130, %jit3A_131, %jit3A_129 : i32
    %rem3A_133 = vector.broadcast %select_n3A_132 : i32 to vector<16xi32>
    %rem3A_134 = arith.remsi %add3A_3, %rem3A_133 : vector<16xi32>
    %ne3A_135 = arith.constant 0 : i32
    %ne3A_136 = vector.broadcast %ne3A_135 : i32 to vector<16xi32>
    %ne3A_137 = arith.cmpi ne, %rem3A_134, %ne3A_136 : vector<16xi32>
    %lt3A = arith.constant 0 : i32
    %lt3A_138 = vector.broadcast %lt3A : i32 to vector<16xi32>
    %lt3A_139 = arith.cmpi slt, %rem3A_134, %lt3A_138 : vector<16xi32>
    %lt3A_140 = arith.constant 0 : i32
    %lt3A_141 = arith.cmpi slt, %select_n3A_132, %lt3A_140 : i32
    %ne3A_142 = vector.broadcast %lt3A_141 : i1 to vector<16xi1>
    %ne3A_143 = vector.broadcast %ne3A_142 : vector<16xi1> to vector<16xi1>
    %ne3A_144 = arith.xori %lt3A_139, %ne3A_143 : vector<16xi1>
    %and3A_145 = arith.andi %ne3A_144, %ne3A_137 : vector<16xi1>
    %add3A_146 = vector.broadcast %select_n3A_132 : i32 to vector<16xi32>
    %add3A_147 = arith.addi %rem3A_134, %add3A_146 : vector<16xi32>
    %select_n3A_148 = arith.select %and3A_145, %add3A_147, %rem3A_134 : vector<16xi1>, vector<16xi32>
    %jit3A_149 = arith.constant 8 : i32
    %eq3A_150 = arith.constant 0 : i32
    %eq3A_151 = arith.cmpi eq, %jit3A_149, %eq3A_150 : i32
    %jit3A_152 = arith.constant 1 : i32
    %select_n3A_153 = arith.select %eq3A_151, %jit3A_152, %jit3A_149 : i32
    %rem3A_154 = vector.broadcast %select_n3A_153 : i32 to vector<16xi32>
    %rem3A_155 = arith.remsi %add3A_6, %rem3A_154 : vector<16xi32>
    %ne3A_156 = arith.constant 0 : i32
    %ne3A_157 = vector.broadcast %ne3A_156 : i32 to vector<16xi32>
    %ne3A_158 = arith.cmpi ne, %rem3A_155, %ne3A_157 : vector<16xi32>
    %lt3A_159 = arith.constant 0 : i32
    %lt3A_160 = vector.broadcast %lt3A_159 : i32 to vector<16xi32>
    %lt3A_161 = arith.cmpi slt, %rem3A_155, %lt3A_160 : vector<16xi32>
    %lt3A_162 = arith.constant 0 : i32
    %lt3A_163 = arith.cmpi slt, %select_n3A_153, %lt3A_162 : i32
    %ne3A_164 = vector.broadcast %lt3A_163 : i1 to vector<16xi1>
    %ne3A_165 = vector.broadcast %ne3A_164 : vector<16xi1> to vector<16xi1>
    %ne3A_166 = arith.xori %lt3A_161, %ne3A_165 : vector<16xi1>
    %and3A_167 = arith.andi %ne3A_166, %ne3A_158 : vector<16xi1>
    %add3A_168 = vector.broadcast %select_n3A_153 : i32 to vector<16xi32>
    %add3A_169 = arith.addi %rem3A_155, %add3A_168 : vector<16xi32>
    %select_n3A_170 = arith.select %and3A_167, %add3A_169, %rem3A_155 : vector<16xi1>, vector<16xi32>
    %jit3A_171 = arith.constant 8 : i32
    %eq3A_172 = arith.constant 0 : i32
    %eq3A_173 = arith.cmpi eq, %jit3A_171, %eq3A_172 : i32
    %jit3A_174 = arith.constant 1 : i32
    %select_n3A_175 = arith.select %eq3A_173, %jit3A_174, %jit3A_171 : i32
    %rem3A_176 = vector.broadcast %select_n3A_175 : i32 to vector<16xi32>
    %rem3A_177 = arith.remsi %add3A_9, %rem3A_176 : vector<16xi32>
    %ne3A_178 = arith.constant 0 : i32
    %ne3A_179 = vector.broadcast %ne3A_178 : i32 to vector<16xi32>
    %ne3A_180 = arith.cmpi ne, %rem3A_177, %ne3A_179 : vector<16xi32>
    %lt3A_181 = arith.constant 0 : i32
    %lt3A_182 = vector.broadcast %lt3A_181 : i32 to vector<16xi32>
    %lt3A_183 = arith.cmpi slt, %rem3A_177, %lt3A_182 : vector<16xi32>
    %lt3A_184 = arith.constant 0 : i32
    %lt3A_185 = arith.cmpi slt, %select_n3A_175, %lt3A_184 : i32
    %ne3A_186 = vector.broadcast %lt3A_185 : i1 to vector<16xi1>
    %ne3A_187 = vector.broadcast %ne3A_186 : vector<16xi1> to vector<16xi1>
    %ne3A_188 = arith.xori %lt3A_183, %ne3A_187 : vector<16xi1>
    %and3A_189 = arith.andi %ne3A_188, %ne3A_180 : vector<16xi1>
    %add3A_190 = vector.broadcast %select_n3A_175 : i32 to vector<16xi32>
    %add3A_191 = arith.addi %rem3A_177, %add3A_190 : vector<16xi32>
    %select_n3A_192 = arith.select %and3A_189, %add3A_191, %rem3A_177 : vector<16xi1>, vector<16xi32>
    %jit3A_193 = arith.constant 8 : i32
    %eq3A_194 = arith.constant 0 : i32
    %eq3A_195 = arith.cmpi eq, %jit3A_193, %eq3A_194 : i32
    %jit3A_196 = arith.constant 1 : i32
    %select_n3A_197 = arith.select %eq3A_195, %jit3A_196, %jit3A_193 : i32
    %rem3A_198 = vector.broadcast %select_n3A_197 : i32 to vector<16xi32>
    %rem3A_199 = arith.remsi %add3A_12, %rem3A_198 : vector<16xi32>
    %ne3A_200 = arith.constant 0 : i32
    %ne3A_201 = vector.broadcast %ne3A_200 : i32 to vector<16xi32>
    %ne3A_202 = arith.cmpi ne, %rem3A_199, %ne3A_201 : vector<16xi32>
    %lt3A_203 = arith.constant 0 : i32
    %lt3A_204 = vector.broadcast %lt3A_203 : i32 to vector<16xi32>
    %lt3A_205 = arith.cmpi slt, %rem3A_199, %lt3A_204 : vector<16xi32>
    %lt3A_206 = arith.constant 0 : i32
    %lt3A_207 = arith.cmpi slt, %select_n3A_197, %lt3A_206 : i32
    %ne3A_208 = vector.broadcast %lt3A_207 : i1 to vector<16xi1>
    %ne3A_209 = vector.broadcast %ne3A_208 : vector<16xi1> to vector<16xi1>
    %ne3A_210 = arith.xori %lt3A_205, %ne3A_209 : vector<16xi1>
    %and3A_211 = arith.andi %ne3A_210, %ne3A_202 : vector<16xi1>
    %add3A_212 = vector.broadcast %select_n3A_197 : i32 to vector<16xi32>
    %add3A_213 = arith.addi %rem3A_199, %add3A_212 : vector<16xi32>
    %select_n3A_214 = arith.select %and3A_211, %add3A_213, %rem3A_199 : vector<16xi1>, vector<16xi32>
    %dma_start3A = arith.constant 0 : i32
    %dma_start3A_215 = arith.constant 0 : i32
    %dma_start3A_216 = arith.constant 0 : i32
    %dma_start3A_217 = arith.constant 0 : i32
    %dma_start3A_218 = arith.constant 0 : i32
    %dma_start3A_219 = arith.constant 0 : i32
    %dma_start3A_220 = tpu.memref_slice %arg6[%dma_start3A_216, %dma_start3A_218, %dma_start3A_219] : memref<4x128x64xf32, #tpu.memory_space<vmem>> -> memref<1x128x64xf32, #tpu.memory_space<vmem>>
    %dma_start3A_221 = tpu.memref_squeeze %dma_start3A_220 : memref<1x128x64xf32, #tpu.memory_space<vmem>> -> memref<128x64xf32, #tpu.memory_space<vmem>>
    %dma_start3A_222 = arith.constant 0 : i32
    %dma_start3A_223 = tpu.memref_slice %arg5[%dma_start3A, %dma_start3A_215, %dma_start3A_222] : memref<25x8x128xi32, #tpu.memory_space<vmem>> -> memref<1x1x128xi32, #tpu.memory_space<vmem>>
    %dma_start3A_224 = tpu.memref_squeeze %dma_start3A_223 : memref<1x1x128xi32, #tpu.memory_space<vmem>> -> memref<128xi32, #tpu.memory_space<vmem>>
    %dma_start3A_225 = arith.constant 0 : i32
    %dma_start3A_226 = arith.constant 0 : i32
    %dma_start3A_227 = tpu.memref_slice %arg3[%dma_start3A_225, %dma_start3A_226] : memref<1000000x64xf32, #tpu.memory_space<hbm>> -> memref<1000000x64xf32, #tpu.memory_space<hbm>>
    %dma_start3A_228 = tpu.memref_slice %arg8[%dma_start3A_217] : memref<4x!tpu.dma_semaphore, #tpu.memory_space<semaphore_mem>> -> memref<1x!tpu.dma_semaphore, #tpu.memory_space<semaphore_mem>>
    %dma_start3A_229 = tpu.memref_squeeze %dma_start3A_228 : memref<1x!tpu.dma_semaphore, #tpu.memory_space<semaphore_mem>> -> memref<!tpu.dma_semaphore, #tpu.memory_space<semaphore_mem>>
    tpu.enqueue_indirect_dma source(%dma_start3A_227 : memref<1000000x64xf32, #tpu.memory_space<hbm>>) target(%dma_start3A_221 : memref<128x64xf32, #tpu.memory_space<vmem>>) offsets(%dma_start3A_224 : memref<128xi32, #tpu.memory_space<vmem>>) semaphore(%dma_start3A_229 : memref<!tpu.dma_semaphore, #tpu.memory_space<semaphore_mem>>)
    %dma_start3A_230 = arith.constant 0 : i32
    %dma_start3A_231 = arith.constant 1 : i32
    %dma_start3A_232 = arith.constant 1 : i32
    %dma_start3A_233 = arith.constant 1 : i32
    %dma_start3A_234 = arith.constant 0 : i32
    %dma_start3A_235 = arith.constant 0 : i32
    %dma_start3A_236 = tpu.memref_slice %arg6[%dma_start3A_232, %dma_start3A_234, %dma_start3A_235] : memref<4x128x64xf32, #tpu.memory_space<vmem>> -> memref<1x128x64xf32, #tpu.memory_space<vmem>>
    %dma_start3A_237 = tpu.memref_squeeze %dma_start3A_236 : memref<1x128x64xf32, #tpu.memory_space<vmem>> -> memref<128x64xf32, #tpu.memory_space<vmem>>
    %dma_start3A_238 = arith.constant 0 : i32
    %dma_start3A_239 = tpu.memref_slice %arg5[%dma_start3A_230, %dma_start3A_231, %dma_start3A_238] : memref<25x8x128xi32, #tpu.memory_space<vmem>> -> memref<1x1x128xi32, #tpu.memory_space<vmem>>
    %dma_start3A_240 = tpu.memref_squeeze %dma_start3A_239 : memref<1x1x128xi32, #tpu.memory_space<vmem>> -> memref<128xi32, #tpu.memory_space<vmem>>
    %dma_start3A_241 = arith.constant 0 : i32
    %dma_start3A_242 = arith.constant 0 : i32
    %dma_start3A_243 = tpu.memref_slice %arg3[%dma_start3A_241, %dma_start3A_242] : memref<1000000x64xf32, #tpu.memory_space<hbm>> -> memref<1000000x64xf32, #tpu.memory_space<hbm>>
    %dma_start3A_244 = tpu.memref_slice %arg8[%dma_start3A_233] : memref<4x!tpu.dma_semaphore, #tpu.memory_space<semaphore_mem>> -> memref<1x!tpu.dma_semaphore, #tpu.memory_space<semaphore_mem>>
    %dma_start3A_245 = tpu.memref_squeeze %dma_start3A_244 : memref<1x!tpu.dma_semaphore, #tpu.memory_space<semaphore_mem>> -> memref<!tpu.dma_semaphore, #tpu.memory_space<semaphore_mem>>
    tpu.enqueue_indirect_dma source(%dma_start3A_243 : memref<1000000x64xf32, #tpu.memory_space<hbm>>) target(%dma_start3A_237 : memref<128x64xf32, #tpu.memory_space<vmem>>) offsets(%dma_start3A_240 : memref<128xi32, #tpu.memory_space<vmem>>) semaphore(%dma_start3A_245 : memref<!tpu.dma_semaphore, #tpu.memory_space<semaphore_mem>>)
    %dma_start3A_246 = arith.constant 0 : i32
    %dma_start3A_247 = arith.constant 2 : i32
    %dma_start3A_248 = arith.constant 2 : i32
    %dma_start3A_249 = arith.constant 2 : i32
    %dma_start3A_250 = arith.constant 0 : i32
    %dma_start3A_251 = arith.constant 0 : i32
    %dma_start3A_252 = tpu.memref_slice %arg6[%dma_start3A_248, %dma_start3A_250, %dma_start3A_251] : memref<4x128x64xf32, #tpu.memory_space<vmem>> -> memref<1x128x64xf32, #tpu.memory_space<vmem>>
    %dma_start3A_253 = tpu.memref_squeeze %dma_start3A_252 : memref<1x128x64xf32, #tpu.memory_space<vmem>> -> memref<128x64xf32, #tpu.memory_space<vmem>>
    %dma_start3A_254 = arith.constant 0 : i32
    %dma_start3A_255 = tpu.memref_slice %arg5[%dma_start3A_246, %dma_start3A_247, %dma_start3A_254] : memref<25x8x128xi32, #tpu.memory_space<vmem>> -> memref<1x1x128xi32, #tpu.memory_space<vmem>>
    %dma_start3A_256 = tpu.memref_squeeze %dma_start3A_255 : memref<1x1x128xi32, #tpu.memory_space<vmem>> -> memref<128xi32, #tpu.memory_space<vmem>>
    %dma_start3A_257 = arith.constant 0 : i32
    %dma_start3A_258 = arith.constant 0 : i32
    %dma_start3A_259 = tpu.memref_slice %arg3[%dma_start3A_257, %dma_start3A_258] : memref<1000000x64xf32, #tpu.memory_space<hbm>> -> memref<1000000x64xf32, #tpu.memory_space<hbm>>
    %dma_start3A_260 = tpu.memref_slice %arg8[%dma_start3A_249] : memref<4x!tpu.dma_semaphore, #tpu.memory_space<semaphore_mem>> -> memref<1x!tpu.dma_semaphore, #tpu.memory_space<semaphore_mem>>
    %dma_start3A_261 = tpu.memref_squeeze %dma_start3A_260 : memref<1x!tpu.dma_semaphore, #tpu.memory_space<semaphore_mem>> -> memref<!tpu.dma_semaphore, #tpu.memory_space<semaphore_mem>>
    tpu.enqueue_indirect_dma source(%dma_start3A_259 : memref<1000000x64xf32, #tpu.memory_space<hbm>>) target(%dma_start3A_253 : memref<128x64xf32, #tpu.memory_space<vmem>>) offsets(%dma_start3A_256 : memref<128xi32, #tpu.memory_space<vmem>>) semaphore(%dma_start3A_261 : memref<!tpu.dma_semaphore, #tpu.memory_space<semaphore_mem>>)
    %scan3A = arith.constant 0 : i32
    %scan3A_262 = arith.constant 0 : i32
    %scan3A_263 = arith.constant 200 : i32
    %scan3A_264 = arith.addi %scan3A_262, %scan3A_263 : i32
    %scan3A_265 = arith.constant 1 : i32
    scf.for %scan3A_318 = %scan3A_262 to %scan3A_264 step %scan3A_265  : i32 {
      %jit3A_319 = arith.constant 4 : i32
      %eq3A_320 = arith.constant 0 : i32
      %eq3A_321 = arith.cmpi eq, %jit3A_319, %eq3A_320 : i32
      %jit3A_322 = arith.constant 1 : i32
      %select_n3A_323 = arith.select %eq3A_321, %jit3A_322, %jit3A_319 : i32
      %rem3A_324 = arith.remsi %scan3A_318, %select_n3A_323 : i32
      %ne3A_325 = arith.constant 0 : i32
      %ne3A_326 = arith.cmpi ne, %rem3A_324, %ne3A_325 : i32
      %lt3A_327 = arith.constant 0 : i32
      %lt3A_328 = arith.cmpi slt, %rem3A_324, %lt3A_327 : i32
      %lt3A_329 = arith.constant 0 : i32
      %lt3A_330 = arith.cmpi slt, %select_n3A_323, %lt3A_329 : i32
      %ne3A_331 = arith.xori %lt3A_328, %lt3A_330 : i1
      %and3A_332 = arith.andi %ne3A_331, %ne3A_326 : i1
      %add3A_333 = arith.addi %rem3A_324, %select_n3A_323 : i32
      %select_n3A_334 = arith.select %and3A_332, %add3A_333, %rem3A_324 : i32
      %jit3A_335 = arith.constant 2 : i32
      %eq3A_336 = arith.constant 0 : i32
      %eq3A_337 = arith.cmpi eq, %jit3A_335, %eq3A_336 : i32
      %jit3A_338 = arith.constant 1 : i32
      %select_n3A_339 = arith.select %eq3A_337, %jit3A_338, %jit3A_335 : i32
      %rem3A_340 = arith.remsi %scan3A_318, %select_n3A_339 : i32
      %ne3A_341 = arith.constant 0 : i32
      %ne3A_342 = arith.cmpi ne, %rem3A_340, %ne3A_341 : i32
      %lt3A_343 = arith.constant 0 : i32
      %lt3A_344 = arith.cmpi slt, %rem3A_340, %lt3A_343 : i32
      %lt3A_345 = arith.constant 0 : i32
      %lt3A_346 = arith.cmpi slt, %select_n3A_339, %lt3A_345 : i32
      %ne3A_347 = arith.xori %lt3A_344, %lt3A_346 : i1
      %and3A_348 = arith.andi %ne3A_347, %ne3A_342 : i1
      %add3A_349 = arith.addi %rem3A_340, %select_n3A_339 : i32
      %select_n3A_350 = arith.select %and3A_348, %add3A_349, %rem3A_340 : i32
      %lt3A_351 = arith.constant 197 : i32
      %lt3A_352 = arith.cmpi slt, %scan3A_318, %lt3A_351 : i32
      %convert_element_type3A = arith.extui %lt3A_352 : i1 to i32
      %cond3A = arith.constant 0 : i32
      %cond3A_353 = arith.cmpi ne, %convert_element_type3A, %cond3A : i32
      scf.if %cond3A_353 {
        %add3A_396 = arith.constant 4 : i32
        %add3A_397 = arith.addi %scan3A_318, %add3A_396 : i32
        %sub3A_398 = arith.constant 1 : i32
        %sub3A_399 = arith.subi %add3A_397, %sub3A_398 : i32
        %add3A_400 = arith.constant 4 : i32
        %add3A_401 = arith.addi %scan3A_318, %add3A_400 : i32
        %sub3A_402 = arith.constant 1 : i32
        %sub3A_403 = arith.subi %add3A_401, %sub3A_402 : i32
        %jit3A_404 = arith.constant 4 : i32
        %eq3A_405 = arith.constant 0 : i32
        %eq3A_406 = arith.cmpi eq, %jit3A_404, %eq3A_405 : i32
        %jit3A_407 = arith.constant 1 : i32
        %select_n3A_408 = arith.select %eq3A_406, %jit3A_407, %jit3A_404 : i32
        %rem3A_409 = arith.remsi %sub3A_403, %select_n3A_408 : i32
        %ne3A_410 = arith.constant 0 : i32
        %ne3A_411 = arith.cmpi ne, %rem3A_409, %ne3A_410 : i32
        %lt3A_412 = arith.constant 0 : i32
        %lt3A_413 = arith.cmpi slt, %rem3A_409, %lt3A_412 : i32
        %lt3A_414 = arith.constant 0 : i32
        %lt3A_415 = arith.cmpi slt, %select_n3A_408, %lt3A_414 : i32
        %ne3A_416 = arith.xori %lt3A_413, %lt3A_415 : i1
        %and3A_417 = arith.andi %ne3A_416, %ne3A_411 : i1
        %add3A_418 = arith.addi %rem3A_409, %select_n3A_408 : i32
        %select_n3A_419 = arith.select %and3A_417, %add3A_418, %rem3A_409 : i32
        %jit3A_420 = arith.constant 8 : i32
        %div3A_421 = arith.divsi %sub3A_399, %jit3A_420 : i32
        %sign3A_422 = arith.constant 0 : i32
        %sign3A_423 = arith.cmpi sgt, %sub3A_399, %sign3A_422 : i32
        %sign3A_424 = arith.extui %sign3A_423 : i1 to i32
        %sign3A_425 = arith.constant 0 : i32
        %sign3A_426 = arith.cmpi slt, %sub3A_399, %sign3A_425 : i32
        %sign3A_427 = arith.extui %sign3A_426 : i1 to i32
        %sign3A_428 = arith.subi %sign3A_424, %sign3A_427 : i32
        %sign3A_429 = arith.constant 0 : i32
        %sign3A_430 = arith.cmpi sgt, %jit3A_420, %sign3A_429 : i32
        %sign3A_431 = arith.extui %sign3A_430 : i1 to i32
        %sign3A_432 = arith.constant 0 : i32
        %sign3A_433 = arith.cmpi slt, %jit3A_420, %sign3A_432 : i32
        %sign3A_434 = arith.extui %sign3A_433 : i1 to i32
        %sign3A_435 = arith.subi %sign3A_431, %sign3A_434 : i32
        %ne3A_436 = arith.cmpi ne, %sign3A_428, %sign3A_435 : i32
        %rem3A_437 = arith.remsi %sub3A_399, %jit3A_420 : i32
        %ne3A_438 = arith.constant 0 : i32
        %ne3A_439 = arith.cmpi ne, %rem3A_437, %ne3A_438 : i32
        %and3A_440 = arith.andi %ne3A_436, %ne3A_439 : i1
        %sub3A_441 = arith.constant 1 : i32
        %sub3A_442 = arith.subi %div3A_421, %sub3A_441 : i32
        %select_n3A_443 = arith.select %and3A_440, %sub3A_442, %div3A_421 : i32
        %jit3A_444 = arith.constant 8 : i32
        %eq3A_445 = arith.constant 0 : i32
        %eq3A_446 = arith.cmpi eq, %jit3A_444, %eq3A_445 : i32
        %jit3A_447 = arith.constant 1 : i32
        %select_n3A_448 = arith.select %eq3A_446, %jit3A_447, %jit3A_444 : i32
        %rem3A_449 = arith.remsi %sub3A_399, %select_n3A_448 : i32
        %ne3A_450 = arith.constant 0 : i32
        %ne3A_451 = arith.cmpi ne, %rem3A_449, %ne3A_450 : i32
        %lt3A_452 = arith.constant 0 : i32
        %lt3A_453 = arith.cmpi slt, %rem3A_449, %lt3A_452 : i32
        %lt3A_454 = arith.constant 0 : i32
        %lt3A_455 = arith.cmpi slt, %select_n3A_448, %lt3A_454 : i32
        %ne3A_456 = arith.xori %lt3A_453, %lt3A_455 : i1
        %and3A_457 = arith.andi %ne3A_456, %ne3A_451 : i1
        %add3A_458 = arith.addi %rem3A_449, %select_n3A_448 : i32
        %select_n3A_459 = arith.select %and3A_457, %add3A_458, %rem3A_449 : i32
        %dma_start3A_460 = arith.constant 0 : i32
        %dma_start3A_461 = arith.constant 0 : i32
        %dma_start3A_462 = tpu.memref_slice %arg6[%select_n3A_419, %dma_start3A_460, %dma_start3A_461] : memref<4x128x64xf32, #tpu.memory_space<vmem>> -> memref<1x128x64xf32, #tpu.memory_space<vmem>>
        %dma_start3A_463 = tpu.memref_squeeze %dma_start3A_462 : memref<1x128x64xf32, #tpu.memory_space<vmem>> -> memref<128x64xf32, #tpu.memory_space<vmem>>
        %dma_start3A_464 = arith.constant 0 : i32
        %dma_start3A_465 = tpu.memref_slice %arg5[%select_n3A_443, %select_n3A_459, %dma_start3A_464] : memref<25x8x128xi32, #tpu.memory_space<vmem>> -> memref<1x1x128xi32, #tpu.memory_space<vmem>>
        %dma_start3A_466 = tpu.memref_squeeze %dma_start3A_465 : memref<1x1x128xi32, #tpu.memory_space<vmem>> -> memref<128xi32, #tpu.memory_space<vmem>>
        %dma_start3A_467 = arith.constant 0 : i32
        %dma_start3A_468 = arith.constant 0 : i32
        %dma_start3A_469 = tpu.memref_slice %arg3[%dma_start3A_467, %dma_start3A_468] : memref<1000000x64xf32, #tpu.memory_space<hbm>> -> memref<1000000x64xf32, #tpu.memory_space<hbm>>
        %dma_start3A_470 = tpu.memref_slice %arg8[%select_n3A_419] : memref<4x!tpu.dma_semaphore, #tpu.memory_space<semaphore_mem>> -> memref<1x!tpu.dma_semaphore, #tpu.memory_space<semaphore_mem>>
        %dma_start3A_471 = tpu.memref_squeeze %dma_start3A_470 : memref<1x!tpu.dma_semaphore, #tpu.memory_space<semaphore_mem>> -> memref<!tpu.dma_semaphore, #tpu.memory_space<semaphore_mem>>
        tpu.enqueue_indirect_dma source(%dma_start3A_469 : memref<1000000x64xf32, #tpu.memory_space<hbm>>) target(%dma_start3A_463 : memref<128x64xf32, #tpu.memory_space<vmem>>) offsets(%dma_start3A_466 : memref<128xi32, #tpu.memory_space<vmem>>) semaphore(%dma_start3A_471 : memref<!tpu.dma_semaphore, #tpu.memory_space<semaphore_mem>>)
      } else {
      }
      %dma_wait3A_354 = arith.constant 0 : i32
      %dma_wait3A_355 = arith.constant 0 : i32
      %dma_wait3A_356 = arith.constant 0 : i32
      %dma_wait3A_357 = arith.constant 0 : i32
      %dma_wait3A_358 = tpu.memref_slice %arg6[%select_n3A_334, %dma_wait3A_356, %dma_wait3A_357] : memref<4x128x64xf32, #tpu.memory_space<vmem>> -> memref<1x128x64xf32, #tpu.memory_space<vmem>>
      %dma_wait3A_359 = tpu.memref_squeeze %dma_wait3A_358 : memref<1x128x64xf32, #tpu.memory_space<vmem>> -> memref<128x64xf32, #tpu.memory_space<vmem>>
      %dma_wait3A_360 = arith.constant 0 : i32
      %dma_wait3A_361 = tpu.memref_slice %arg5[%dma_wait3A_354, %dma_wait3A_355, %dma_wait3A_360] : memref<25x8x128xi32, #tpu.memory_space<vmem>> -> memref<1x1x128xi32, #tpu.memory_space<vmem>>
      %dma_wait3A_362 = tpu.memref_squeeze %dma_wait3A_361 : memref<1x1x128xi32, #tpu.memory_space<vmem>> -> memref<128xi32, #tpu.memory_space<vmem>>
      %dma_wait3A_363 = arith.constant 0 : i32
      %dma_wait3A_364 = arith.constant 0 : i32
      %dma_wait3A_365 = tpu.memref_slice %arg3[%dma_wait3A_363, %dma_wait3A_364] : memref<1000000x64xf32, #tpu.memory_space<hbm>> -> memref<1000000x64xf32, #tpu.memory_space<hbm>>
      %dma_wait3A_366 = tpu.memref_slice %arg8[%select_n3A_334] : memref<4x!tpu.dma_semaphore, #tpu.memory_space<semaphore_mem>> -> memref<1x!tpu.dma_semaphore, #tpu.memory_space<semaphore_mem>>
      %dma_wait3A_367 = tpu.memref_squeeze %dma_wait3A_366 : memref<1x!tpu.dma_semaphore, #tpu.memory_space<semaphore_mem>> -> memref<!tpu.dma_semaphore, #tpu.memory_space<semaphore_mem>>
      tpu.wait_indirect_dma semaphore(%dma_wait3A_367 : memref<!tpu.dma_semaphore, #tpu.memory_space<semaphore_mem>>) src(%dma_wait3A_365 : memref<1000000x64xf32, #tpu.memory_space<hbm>>) dst(%dma_wait3A_359 : memref<128x64xf32, #tpu.memory_space<vmem>>)
      %ge3A = arith.constant 2 : i32
      %ge3A_368 = arith.cmpi sge, %scan3A_318, %ge3A : i32
      %convert_element_type3A_369 = arith.extui %ge3A_368 : i1 to i32
      %cond3A_370 = arith.constant 0 : i32
      %cond3A_371 = arith.cmpi ne, %convert_element_type3A_369, %cond3A_370 : i32
      scf.if %cond3A_371 {
        %dma_wait3A_396 = arith.constant 0 : i32
        %dma_wait3A_397 = arith.constant 0 : i32
        %dma_wait3A_398 = arith.constant 0 : i32
        %dma_wait3A_399 = arith.constant 0 : i32
        %dma_wait3A_400 = arith.constant 0 : i32
        %dma_wait3A_401 = tpu.memref_slice %arg7[%select_n3A_350, %dma_wait3A_398, %dma_wait3A_399, %dma_wait3A_400] : memref<2x8x8x129xf32, #tpu.memory_space<vmem>> -> memref<1x8x8x128xf32, #tpu.memory_space<vmem>>
        %dma_wait3A_402 = tpu.memref_squeeze %dma_wait3A_401 : memref<1x8x8x128xf32, #tpu.memory_space<vmem>> -> memref<8x8x128xf32, #tpu.memory_space<vmem>>
        %dma_wait3A_403 = arith.constant 0 : i32
        %dma_wait3A_404 = arith.constant 0 : i32
        %dma_wait3A_405 = arith.constant 0 : i32
        %dma_wait3A_406 = tpu.memref_slice %arg4[%dma_wait3A_396, %dma_wait3A_403, %dma_wait3A_397, %dma_wait3A_404, %dma_wait3A_405] : memref<200x8x32x8x128xf32, #tpu.memory_space<hbm>> -> memref<1x8x1x8x128xf32, #tpu.memory_space<hbm>>
        %dma_wait3A_407 = tpu.memref_squeeze %dma_wait3A_406 : memref<1x8x1x8x128xf32, #tpu.memory_space<hbm>> -> memref<8x8x128xf32, #tpu.memory_space<hbm>>
        %dma_wait3A_408 = tpu.memref_slice %arg9[%select_n3A_350] : memref<2x!tpu.dma_semaphore, #tpu.memory_space<semaphore_mem>> -> memref<1x!tpu.dma_semaphore, #tpu.memory_space<semaphore_mem>>
        %dma_wait3A_409 = tpu.memref_squeeze %dma_wait3A_408 : memref<1x!tpu.dma_semaphore, #tpu.memory_space<semaphore_mem>> -> memref<!tpu.dma_semaphore, #tpu.memory_space<semaphore_mem>>
        %dma_wait3A_410 = arith.constant 0 : i32
        %dma_wait3A_411 = arith.constant 0 : i32
        %dma_wait3A_412 = arith.constant 0 : i32
        %dma_wait3A_413 = tpu.memref_slice %arg4[%dma_wait3A_396, %dma_wait3A_410, %dma_wait3A_397, %dma_wait3A_411, %dma_wait3A_412] : memref<200x8x32x8x128xf32, #tpu.memory_space<hbm>> -> memref<1x8x1x8x128xf32, #tpu.memory_space<hbm>>
        %dma_wait3A_414 = tpu.memref_squeeze %dma_wait3A_413 : memref<1x8x1x8x128xf32, #tpu.memory_space<hbm>> -> memref<8x8x128xf32, #tpu.memory_space<hbm>>
        %dma_wait3A_415 = arith.constant 0 : i32
        %dma_wait3A_416 = arith.constant 0 : i32
        %dma_wait3A_417 = arith.constant 0 : i32
        %dma_wait3A_418 = tpu.memref_slice %arg7[%select_n3A_350, %dma_wait3A_415, %dma_wait3A_416, %dma_wait3A_417] : memref<2x8x8x129xf32, #tpu.memory_space<vmem>> -> memref<1x8x8x128xf32, #tpu.memory_space<vmem>>
        %dma_wait3A_419 = tpu.memref_squeeze %dma_wait3A_418 : memref<1x8x8x128xf32, #tpu.memory_space<vmem>> -> memref<8x8x128xf32, #tpu.memory_space<vmem>>
        tpu.wait_dma2 semaphore(%dma_wait3A_409 : memref<!tpu.dma_semaphore, #tpu.memory_space<semaphore_mem>>) src(%dma_wait3A_419 : memref<8x8x128xf32, #tpu.memory_space<vmem>>) dst(%dma_wait3A_414 : memref<8x8x128xf32, #tpu.memory_space<hbm>>)
      } else {
      }
      %parallel_loop3A = arith.constant 0 : i32
      %parallel_loop3A_372 = arith.constant 128 : i32
      %parallel_loop3A_373 = arith.constant 1 : i32
      scf.for %parallel_loop3A_396 = %parallel_loop3A to %parallel_loop3A_372 step %parallel_loop3A_373  : i32 {
        %parallel_loop3A_397 = vector.broadcast %parallel_loop3A_396 : i32 to vector<16xi32>
        %parallel_loop3A_398 = arith.constant 0 : i32
        %parallel_loop3A_399 = arith.constant 0 : i32
        %parallel_loop3A_400 = tpu.memref_slice %arg6[%select_n3A_334, %parallel_loop3A_398, %parallel_loop3A_399] : memref<4x128x64xf32, #tpu.memory_space<vmem>> -> memref<1x128x64xf32, #tpu.memory_space<vmem>>
        %parallel_loop3A_401 = tpu.memref_squeeze %parallel_loop3A_400 : memref<1x128x64xf32, #tpu.memory_space<vmem>> -> memref<128x64xf32, #tpu.memory_space<vmem>>
        %parallel_loop3A_402 = arith.constant 0 : i32
        %parallel_loop3A_403 = tpu.memref_slice %parallel_loop3A_401[%parallel_loop3A_396, %parallel_loop3A_402] : memref<128x64xf32, #tpu.memory_space<vmem>> -> memref<1x64xf32, #tpu.memory_space<vmem>>
        %parallel_loop3A_404 = tpu.memref_squeeze %parallel_loop3A_403 : memref<1x64xf32, #tpu.memory_space<vmem>> -> memref<64xf32, #tpu.memory_space<vmem>>
        %parallel_loop3A_405 = arith.constant 0 : index
        %parallel_loop3A_406 = tpu.vector_load %parallel_loop3A_404[%parallel_loop3A_405] {strides = array<i32>} : memref<64xf32, #tpu.memory_space<vmem>>, vector<16xf32>,
        %parallel_loop3A_407 = arith.constant 0 : i32
        %parallel_loop3A_408 = arith.constant 0 : i32
        %parallel_loop3A_409 = arith.constant 0 : i32
        %parallel_loop3A_410 = tpu.memref_slice %arg7[%select_n3A_350, %parallel_loop3A_407, %parallel_loop3A_408, %parallel_loop3A_409] : memref<2x8x8x129xf32, #tpu.memory_space<vmem>> -> memref<1x8x8x129xf32, #tpu.memory_space<vmem>>
        %parallel_loop3A_411 = tpu.memref_squeeze %parallel_loop3A_410 : memref<1x8x8x129xf32, #tpu.memory_space<vmem>> -> memref<8x8x129xf32, #tpu.memory_space<vmem>>
        tpu.vector_store_idx %parallel_loop3A_411[%select_n3A, %select_n3A_148, %parallel_loop3A_397], %parallel_loop3A_406 : memref<8x8x129xf32, #tpu.memory_space<vmem>>[vector<16xi32>, vector<16xi32>, vector<16xi32>], vector<16xf32>,
        %parallel_loop3A_412 = arith.constant 0 : i32
        %parallel_loop3A_413 = arith.constant 0 : i32
        %parallel_loop3A_414 = tpu.memref_slice %arg6[%select_n3A_334, %parallel_loop3A_412, %parallel_loop3A_413] : memref<4x128x64xf32, #tpu.memory_space<vmem>> -> memref<1x128x64xf32, #tpu.memory_space<vmem>>
        %parallel_loop3A_415 = tpu.memref_squeeze %parallel_loop3A_414 : memref<1x128x64xf32, #tpu.memory_space<vmem>> -> memref<128x64xf32, #tpu.memory_space<vmem>>
        %parallel_loop3A_416 = arith.constant 0 : i32
        %parallel_loop3A_417 = tpu.memref_slice %parallel_loop3A_415[%parallel_loop3A_396, %parallel_loop3A_416] : memref<128x64xf32, #tpu.memory_space<vmem>> -> memref<1x64xf32, #tpu.memory_space<vmem>>
        %parallel_loop3A_418 = tpu.memref_squeeze %parallel_loop3A_417 : memref<1x64xf32, #tpu.memory_space<vmem>> -> memref<64xf32, #tpu.memory_space<vmem>>
        %parallel_loop3A_419 = arith.constant 16 : index
        %parallel_loop3A_420 = tpu.vector_load %parallel_loop3A_418[%parallel_loop3A_419] {strides = array<i32>} : memref<64xf32, #tpu.memory_space<vmem>>, vector<16xf32>,
        %parallel_loop3A_421 = arith.constant 0 : i32
        %parallel_loop3A_422 = arith.constant 0 : i32
        %parallel_loop3A_423 = arith.constant 0 : i32
        %parallel_loop3A_424 = tpu.memref_slice %arg7[%select_n3A_350, %parallel_loop3A_421, %parallel_loop3A_422, %parallel_loop3A_423] : memref<2x8x8x129xf32, #tpu.memory_space<vmem>> -> memref<1x8x8x129xf32, #tpu.memory_space<vmem>>
        %parallel_loop3A_425 = tpu.memref_squeeze %parallel_loop3A_424 : memref<1x8x8x129xf32, #tpu.memory_space<vmem>> -> memref<8x8x129xf32, #tpu.memory_space<vmem>>
        tpu.vector_store_idx %parallel_loop3A_425[%select_n3A_66, %select_n3A_170, %parallel_loop3A_397], %parallel_loop3A_420 : memref<8x8x129xf32, #tpu.memory_space<vmem>>[vector<16xi32>, vector<16xi32>, vector<16xi32>], vector<16xf32>,
        %parallel_loop3A_426 = arith.constant 0 : i32
        %parallel_loop3A_427 = arith.constant 0 : i32
        %parallel_loop3A_428 = tpu.memref_slice %arg6[%select_n3A_334, %parallel_loop3A_426, %parallel_loop3A_427] : memref<4x128x64xf32, #tpu.memory_space<vmem>> -> memref<1x128x64xf32, #tpu.memory_space<vmem>>
        %parallel_loop3A_429 = tpu.memref_squeeze %parallel_loop3A_428 : memref<1x128x64xf32, #tpu.memory_space<vmem>> -> memref<128x64xf32, #tpu.memory_space<vmem>>
        %parallel_loop3A_430 = arith.constant 0 : i32
        %parallel_loop3A_431 = tpu.memref_slice %parallel_loop3A_429[%parallel_loop3A_396, %parallel_loop3A_430] : memref<128x64xf32, #tpu.memory_space<vmem>> -> memref<1x64xf32, #tpu.memory_space<vmem>>
        %parallel_loop3A_432 = tpu.memref_squeeze %parallel_loop3A_431 : memref<1x64xf32, #tpu.memory_space<vmem>> -> memref<64xf32, #tpu.memory_space<vmem>>
        %parallel_loop3A_433 = arith.constant 32 : index
        %parallel_loop3A_434 = tpu.vector_load %parallel_loop3A_432[%parallel_loop3A_433] {strides = array<i32>} : memref<64xf32, #tpu.memory_space<vmem>>, vector<16xf32>,
        %parallel_loop3A_435 = arith.constant 0 : i32
        %parallel_loop3A_436 = arith.constant 0 : i32
        %parallel_loop3A_437 = arith.constant 0 : i32
        %parallel_loop3A_438 = tpu.memref_slice %arg7[%select_n3A_350, %parallel_loop3A_435, %parallel_loop3A_436, %parallel_loop3A_437] : memref<2x8x8x129xf32, #tpu.memory_space<vmem>> -> memref<1x8x8x129xf32, #tpu.memory_space<vmem>>
        %parallel_loop3A_439 = tpu.memref_squeeze %parallel_loop3A_438 : memref<1x8x8x129xf32, #tpu.memory_space<vmem>> -> memref<8x8x129xf32, #tpu.memory_space<vmem>>
        tpu.vector_store_idx %parallel_loop3A_439[%select_n3A_97, %select_n3A_192, %parallel_loop3A_397], %parallel_loop3A_434 : memref<8x8x129xf32, #tpu.memory_space<vmem>>[vector<16xi32>, vector<16xi32>, vector<16xi32>], vector<16xf32>,
        %parallel_loop3A_440 = arith.constant 0 : i32
        %parallel_loop3A_441 = arith.constant 0 : i32
        %parallel_loop3A_442 = tpu.memref_slice %arg6[%select_n3A_334, %parallel_loop3A_440, %parallel_loop3A_441] : memref<4x128x64xf32, #tpu.memory_space<vmem>> -> memref<1x128x64xf32, #tpu.memory_space<vmem>>
        %parallel_loop3A_443 = tpu.memref_squeeze %parallel_loop3A_442 : memref<1x128x64xf32, #tpu.memory_space<vmem>> -> memref<128x64xf32, #tpu.memory_space<vmem>>
        %parallel_loop3A_444 = arith.constant 0 : i32
        %parallel_loop3A_445 = tpu.memref_slice %parallel_loop3A_443[%parallel_loop3A_396, %parallel_loop3A_444] : memref<128x64xf32, #tpu.memory_space<vmem>> -> memref<1x64xf32, #tpu.memory_space<vmem>>
        %parallel_loop3A_446 = tpu.memref_squeeze %parallel_loop3A_445 : memref<1x64xf32, #tpu.memory_space<vmem>> -> memref<64xf32, #tpu.memory_space<vmem>>
        %parallel_loop3A_447 = arith.constant 48 : index
        %parallel_loop3A_448 = tpu.vector_load %parallel_loop3A_446[%parallel_loop3A_447] {strides = array<i32>} : memref<64xf32, #tpu.memory_space<vmem>>, vector<16xf32>,
        %parallel_loop3A_449 = arith.constant 0 : i32
        %parallel_loop3A_450 = arith.constant 0 : i32
        %parallel_loop3A_451 = arith.constant 0 : i32
        %parallel_loop3A_452 = tpu.memref_slice %arg7[%select_n3A_350, %parallel_loop3A_449, %parallel_loop3A_450, %parallel_loop3A_451] : memref<2x8x8x129xf32, #tpu.memory_space<vmem>> -> memref<1x8x8x129xf32, #tpu.memory_space<vmem>>
        %parallel_loop3A_453 = tpu.memref_squeeze %parallel_loop3A_452 : memref<1x8x8x129xf32, #tpu.memory_space<vmem>> -> memref<8x8x129xf32, #tpu.memory_space<vmem>>
        tpu.vector_store_idx %parallel_loop3A_453[%select_n3A_128, %select_n3A_214, %parallel_loop3A_397], %parallel_loop3A_448 : memref<8x8x129xf32, #tpu.memory_space<vmem>>[vector<16xi32>, vector<16xi32>, vector<16xi32>], vector<16xf32>,
      } {sc.loop_unroll_factor = 8 : i64, sc.parallel_access}
      %dma_start3A_374 = arith.constant 0 : i32
      %dma_start3A_375 = arith.constant 0 : i32
      %dma_start3A_376 = arith.constant 0 : i32
      %dma_start3A_377 = tpu.memref_slice %arg7[%select_n3A_350, %dma_start3A_374, %dma_start3A_375, %dma_start3A_376] : memref<2x8x8x129xf32, #tpu.memory_space<vmem>> -> memref<1x8x8x128xf32, #tpu.memory_space<vmem>>
      %dma_start3A_378 = tpu.memref_squeeze %dma_start3A_377 : memref<1x8x8x128xf32, #tpu.memory_space<vmem>> -> memref<8x8x128xf32, #tpu.memory_space<vmem>>
      %dma_start3A_379 = arith.constant 0 : i32
      %dma_start3A_380 = arith.constant 0 : i32
      %dma_start3A_381 = arith.constant 0 : i32
      %dma_start3A_382 = tpu.memref_slice %arg4[%scan3A_318, %dma_start3A_379, %add3A, %dma_start3A_380, %dma_start3A_381] : memref<200x8x32x8x128xf32, #tpu.memory_space<hbm>> -> memref<1x8x1x8x128xf32, #tpu.memory_space<hbm>>
      %dma_start3A_383 = tpu.memref_squeeze %dma_start3A_382 : memref<1x8x1x8x128xf32, #tpu.memory_space<hbm>> -> memref<8x8x128xf32, #tpu.memory_space<hbm>>
      %dma_start3A_384 = tpu.memref_slice %arg9[%select_n3A_350] : memref<2x!tpu.dma_semaphore, #tpu.memory_space<semaphore_mem>> -> memref<1x!tpu.dma_semaphore, #tpu.memory_space<semaphore_mem>>
      %dma_start3A_385 = tpu.memref_squeeze %dma_start3A_384 : memref<1x!tpu.dma_semaphore, #tpu.memory_space<semaphore_mem>> -> memref<!tpu.dma_semaphore, #tpu.memory_space<semaphore_mem>>
      %dma_start3A_386 = arith.constant 0 : i32
      %dma_start3A_387 = arith.constant 0 : i32
      %dma_start3A_388 = arith.constant 0 : i32
      %dma_start3A_389 = tpu.memref_slice %arg4[%scan3A_318, %dma_start3A_386, %add3A, %dma_start3A_387, %dma_start3A_388] : memref<200x8x32x8x128xf32, #tpu.memory_space<hbm>> -> memref<1x8x1x8x128xf32, #tpu.memory_space<hbm>>
      %dma_start3A_390 = tpu.memref_squeeze %dma_start3A_389 : memref<1x8x1x8x128xf32, #tpu.memory_space<hbm>> -> memref<8x8x128xf32, #tpu.memory_space<hbm>>
      %dma_start3A_391 = arith.constant 0 : i32
      %dma_start3A_392 = arith.constant 0 : i32
      %dma_start3A_393 = arith.constant 0 : i32
      %dma_start3A_394 = tpu.memref_slice %arg7[%select_n3A_350, %dma_start3A_391, %dma_start3A_392, %dma_start3A_393] : memref<2x8x8x129xf32, #tpu.memory_space<vmem>> -> memref<1x8x8x128xf32, #tpu.memory_space<vmem>>
      %dma_start3A_395 = tpu.memref_squeeze %dma_start3A_394 : memref<1x8x8x128xf32, #tpu.memory_space<vmem>> -> memref<8x8x128xf32, #tpu.memory_space<vmem>>
      tpu.enqueue_dma source(%dma_start3A_395 : memref<8x8x128xf32, #tpu.memory_space<vmem>>) target(%dma_start3A_390 : memref<8x8x128xf32, #tpu.memory_space<hbm>>) target_semaphore(%dma_start3A_385 : memref<!tpu.dma_semaphore, #tpu.memory_space<semaphore_mem>>)
    }
    %scan3A_266 = arith.constant 200 : i32
    %dma_wait3A = arith.constant 0 : i32
    %dma_wait3A_267 = arith.constant 0 : i32
    %dma_wait3A_268 = arith.constant 0 : i32
    %dma_wait3A_269 = arith.constant 0 : i32
    %dma_wait3A_270 = arith.constant 0 : i32
    %dma_wait3A_271 = arith.constant 0 : i32
    %dma_wait3A_272 = arith.constant 0 : i32
    %dma_wait3A_273 = tpu.memref_slice %arg7[%dma_wait3A, %dma_wait3A_270, %dma_wait3A_271, %dma_wait3A_272] : memref<2x8x8x129xf32, #tpu.memory_space<vmem>> -> memref<1x8x8x128xf32, #tpu.memory_space<vmem>>
    %dma_wait3A_274 = tpu.memref_squeeze %dma_wait3A_273 : memref<1x8x8x128xf32, #tpu.memory_space<vmem>> -> memref<8x8x128xf32, #tpu.memory_space<vmem>>
    %dma_wait3A_275 = arith.constant 0 : i32
    %dma_wait3A_276 = arith.constant 0 : i32
    %dma_wait3A_277 = arith.constant 0 : i32
    %dma_wait3A_278 = tpu.memref_slice %arg4[%dma_wait3A_267, %dma_wait3A_275, %dma_wait3A_268, %dma_wait3A_276, %dma_wait3A_277] : memref<200x8x32x8x128xf32, #tpu.memory_space<hbm>> -> memref<1x8x1x8x128xf32, #tpu.memory_space<hbm>>
    %dma_wait3A_279 = tpu.memref_squeeze %dma_wait3A_278 : memref<1x8x1x8x128xf32, #tpu.memory_space<hbm>> -> memref<8x8x128xf32, #tpu.memory_space<hbm>>
    %dma_wait3A_280 = tpu.memref_slice %arg9[%dma_wait3A_269] : memref<2x!tpu.dma_semaphore, #tpu.memory_space<semaphore_mem>> -> memref<1x!tpu.dma_semaphore, #tpu.memory_space<semaphore_mem>>
    %dma_wait3A_281 = tpu.memref_squeeze %dma_wait3A_280 : memref<1x!tpu.dma_semaphore, #tpu.memory_space<semaphore_mem>> -> memref<!tpu.dma_semaphore, #tpu.memory_space<semaphore_mem>>
    %dma_wait3A_282 = arith.constant 0 : i32
    %dma_wait3A_283 = arith.constant 0 : i32
    %dma_wait3A_284 = arith.constant 0 : i32
    %dma_wait3A_285 = tpu.memref_slice %arg4[%dma_wait3A_267, %dma_wait3A_282, %dma_wait3A_268, %dma_wait3A_283, %dma_wait3A_284] : memref<200x8x32x8x128xf32, #tpu.memory_space<hbm>> -> memref<1x8x1x8x128xf32, #tpu.memory_space<hbm>>
    %dma_wait3A_286 = tpu.memref_squeeze %dma_wait3A_285 : memref<1x8x1x8x128xf32, #tpu.memory_space<hbm>> -> memref<8x8x128xf32, #tpu.memory_space<hbm>>
    %dma_wait3A_287 = arith.constant 0 : i32
    %dma_wait3A_288 = arith.constant 0 : i32
    %dma_wait3A_289 = arith.constant 0 : i32
    %dma_wait3A_290 = tpu.memref_slice %arg7[%dma_wait3A, %dma_wait3A_287, %dma_wait3A_288, %dma_wait3A_289] : memref<2x8x8x129xf32, #tpu.memory_space<vmem>> -> memref<1x8x8x128xf32, #tpu.memory_space<vmem>>
    %dma_wait3A_291 = tpu.memref_squeeze %dma_wait3A_290 : memref<1x8x8x128xf32, #tpu.memory_space<vmem>> -> memref<8x8x128xf32, #tpu.memory_space<vmem>>
    tpu.wait_dma2 semaphore(%dma_wait3A_281 : memref<!tpu.dma_semaphore, #tpu.memory_space<semaphore_mem>>) src(%dma_wait3A_291 : memref<8x8x128xf32, #tpu.memory_space<vmem>>) dst(%dma_wait3A_286 : memref<8x8x128xf32, #tpu.memory_space<hbm>>)
    %dma_wait3A_292 = arith.constant 1 : i32
    %dma_wait3A_293 = arith.constant 0 : i32
    %dma_wait3A_294 = arith.constant 0 : i32
    %dma_wait3A_295 = arith.constant 1 : i32
    %dma_wait3A_296 = arith.constant 0 : i32
    %dma_wait3A_297 = arith.constant 0 : i32
    %dma_wait3A_298 = arith.constant 0 : i32
    %dma_wait3A_299 = tpu.memref_slice %arg7[%dma_wait3A_292, %dma_wait3A_296, %dma_wait3A_297, %dma_wait3A_298] : memref<2x8x8x129xf32, #tpu.memory_space<vmem>> -> memref<1x8x8x128xf32, #tpu.memory_space<vmem>>
    %dma_wait3A_300 = tpu.memref_squeeze %dma_wait3A_299 : memref<1x8x8x128xf32, #tpu.memory_space<vmem>> -> memref<8x8x128xf32, #tpu.memory_space<vmem>>
    %dma_wait3A_301 = arith.constant 0 : i32
    %dma_wait3A_302 = arith.constant 0 : i32
    %dma_wait3A_303 = arith.constant 0 : i32
    %dma_wait3A_304 = tpu.memref_slice %arg4[%dma_wait3A_293, %dma_wait3A_301, %dma_wait3A_294, %dma_wait3A_302, %dma_wait3A_303] : memref<200x8x32x8x128xf32, #tpu.memory_space<hbm>> -> memref<1x8x1x8x128xf32, #tpu.memory_space<hbm>>
    %dma_wait3A_305 = tpu.memref_squeeze %dma_wait3A_304 : memref<1x8x1x8x128xf32, #tpu.memory_space<hbm>> -> memref<8x8x128xf32, #tpu.memory_space<hbm>>
    %dma_wait3A_306 = tpu.memref_slice %arg9[%dma_wait3A_295] : memref<2x!tpu.dma_semaphore, #tpu.memory_space<semaphore_mem>> -> memref<1x!tpu.dma_semaphore, #tpu.memory_space<semaphore_mem>>
    %dma_wait3A_307 = tpu.memref_squeeze %dma_wait3A_306 : memref<1x!tpu.dma_semaphore, #tpu.memory_space<semaphore_mem>> -> memref<!tpu.dma_semaphore, #tpu.memory_space<semaphore_mem>>
    %dma_wait3A_308 = arith.constant 0 : i32
    %dma_wait3A_309 = arith.constant 0 : i32
    %dma_wait3A_310 = arith.constant 0 : i32
    %dma_wait3A_311 = tpu.memref_slice %arg4[%dma_wait3A_293, %dma_wait3A_308, %dma_wait3A_294, %dma_wait3A_309, %dma_wait3A_310] : memref<200x8x32x8x128xf32, #tpu.memory_space<hbm>> -> memref<1x8x1x8x128xf32, #tpu.memory_space<hbm>>
    %dma_wait3A_312 = tpu.memref_squeeze %dma_wait3A_311 : memref<1x8x1x8x128xf32, #tpu.memory_space<hbm>> -> memref<8x8x128xf32, #tpu.memory_space<hbm>>
    %dma_wait3A_313 = arith.constant 0 : i32
    %dma_wait3A_314 = arith.constant 0 : i32
    %dma_wait3A_315 = arith.constant 0 : i32
    %dma_wait3A_316 = tpu.memref_slice %arg7[%dma_wait3A_292, %dma_wait3A_313, %dma_wait3A_314, %dma_wait3A_315] : memref<2x8x8x129xf32, #tpu.memory_space<vmem>> -> memref<1x8x8x128xf32, #tpu.memory_space<vmem>>
    %dma_wait3A_317 = tpu.memref_squeeze %dma_wait3A_316 : memref<1x8x8x128xf32, #tpu.memory_space<vmem>> -> memref<8x8x128xf32, #tpu.memory_space<vmem>>
    tpu.wait_dma2 semaphore(%dma_wait3A_307 : memref<!tpu.dma_semaphore, #tpu.memory_space<semaphore_mem>>) src(%dma_wait3A_317 : memref<8x8x128xf32, #tpu.memory_space<vmem>>) dst(%dma_wait3A_312 : memref<8x8x128xf32, #tpu.memory_space<hbm>>)
    return
  }
}

</mosaic_0001>

<sc_bundles>
// kernel: _sc_embedding_lookup.3.cloned.1.call-start
scs
__scs_entry_jumppad:
0x0: {  	(pc) =	sbr.rel $0x88, $3  }
0x1: {  	(tag) =	ssettag $0x0;
	lr =	simm.s32 $0x1  }
0x2: {  	[smem:$0x3F9F] =	sst lr;
	_ =	strace $0xD0000000  }
0x3: {  	_ = 	snop  }
0x4: {  	_ = 	snop  }
0x5: {  	_ = 	snop  }
0x6: {  	_ = 	snop  }
0x7: {  	_ = 	snop  }
__scs_overlays_trampoline_lowered:
0x8: {  	[smem:$0x3FAE] =	sst s0  }
0x9: {  	[smem:$0x3FAF] =	sst s1  }
0xa: {  	[smem:$0x3FB0] =	sst s2  }
0xb: {  	[smem:$0x3FB1] =	sst s3  }
0xc: {  	[smem:$0x3FB2] =	sst s4  }
0xd: {  	[smem:$0x3FB3] =	sst s5  }
0xe: {  	[smem:$0x3FB4] =	sst s6  }
0xf: {  	[smem:$0x3FB5] =	sst s7  }
0x10: {  	[smem:$0x3FB6] =	sst s8  }
0x11: {  	[smem:$0x3FB7] =	sst s9;
	s0 =	simm.s32 @!p0 $0x0  }
0x12: {  	s1 =	sld [smem:$0x3F9D];
	s0 =	simm.s32 @p0 $0x1  }
0x13: {  	[smem:$0x3FB8] =	sst s0;
	s0 =	simm.s32 @!p1 $0x0  }
0x14: {  	s2 =	sld [smem:$0x3F9C];
	s0 =	simm.s32 @p1 $0x1  }
0x15: {  	[smem:$0x3FB9] =	sst s0;
	s0 =	simm.s32 @!p2 $0x0  }
0x16: {  	s3 =	sld [smem:$0x3FDB];
	s0 =	simm.s32 @p2 $0x1  }
0x17: {  	s4 =	simm.s32 $0x1BF5;
	[smem:$0x3FBB] =	sst s0  }
0x18: {  	s0 =	sld [smem:$0x3F9E];
	_ =	swait.ge [sflag:s4], $0x0  }
0x19: {  	s7 =	sld [smem:$0x3F9F]  }
0x1a: {  	s8 =	sadd.s32 $0xFFFFE003, lr  }
0x1b: {  	s9 =	sadd.s32 $0xFFFFFEF7, lr;
	s5 =	simm.s32 $0xFFFFFFFF;
	p2 =	slt.u32 s8, $0xFFFFF086  }
0x1c: {  	p1 =	slt.u32 s9, $0xF7A;
	s5 =	simm.s32 @!p2 $0x0  }
0x1d: {  	s5 =	simm.s32 @p1 $0x1;
	p0 =	seq.s32 s7, s2  }
0x1e: {  	s7 =	smul.u32 @!p0 $0xF7A, s2;
	p2 =	seq.s32 @!p0 s5, $0x0  }
0x1f: {  	s9 =	smul.u32 $0xF7A, s1;
	s8 =	simm.s32 @!p0 $0x1BF5;
	p2 =	por !p2, p0  }
0x20: {  	[sflag:s8] =	ssyncset.s32 @!p0 $0xFFFFF086;
	s6 =	sadd.s32 @!p0 s3, s7;
	s7 =	simm.s32 @!p0 $0x108  }
0x21: {  	s3 =	sadd.s32 s3, s9;
	s6 =	sadd.s32 @!p0 $0x88, s6;
	s7 =	simm.s32 @p2 $0x1082  }
0x22: {  	[simem:s7], [sflag:s8] =	dma.local @!p0 [hbm:s6], $0xF7A  }
0x23: {  	s9 =	sor.u32 $0xD0000000, s2;
	s6 =	simm.s32 $0x108;
	_ =	swait.ge @!p0 [sflag:s8], $0x0  }
0x24: {  	s3 =	sadd.s32 $0x88, s3;
	s6 =	simm.s32 @!p1 $0x1082;
	[sflag:s4] =	ssyncset.s32 $0xFFFFF086  }
0x25: {  	[simem:s6], [sflag:s4] =	dma.local [hbm:s3], $0xF7A  }
0x26: {  	[smem:$0x3F9F] =	sst s1;
	(tag) =	ssettag s2;
	_ =	strace s9  }
0x27: {  	s1 =	sld [smem:$0x3FAF]  }
0x28: {  	s2 =	sld [smem:$0x3FB0]  }
0x29: {  	s4 =	sld [smem:$0x3FB2]  }
0x2a: {  	p0 =	seq.s32 s5, $0x0;
	s5 =	sld [smem:$0x3FB3]  }
0x2b: {  	s6 =	sld [smem:$0x3FB4]  }
0x2c: {  	s7 =	sld [smem:$0x3FB5]  }
0x2d: {  	s3 =	simm.s32 $0x108;
	s8 =	sld [smem:$0x3FB6]  }
0x2e: {  	s3 =	simm.s32 @!p0 $0x1082;
	s9 =	sld [smem:$0x3FB7]  }
0x2f: {  	lr =	sadd.s32 s0, s3;
	s0 =	sld [smem:$0x3FAE]  }
0x30: {  	s3 =	sld [smem:$0x3FB1]  }
0x31: {  	[smem:$0x3FBA] =	sst s10  }
0x32: {  	s10 =	sld [smem:$0x3FB8];
	_ =	sdelay $0x3  }
0x33: {  	p0 =	seq.s32 s10, $0x1;
	s10 =	sld [smem:$0x3FBA];
	_ =	sdelay $0x3  }
0x34: {  	[smem:$0x3FBA] =	sst s10  }
0x35: {  	s10 =	sld [smem:$0x3FB9];
	_ =	sdelay $0x3  }
0x36: {  	p1 =	seq.s32 s10, $0x1;
	s10 =	sld [smem:$0x3FBA];
	_ =	sdelay $0x3  }
0x37: {  	[smem:$0x3FBA] =	sst s10  }
0x38: {  	s10 =	sld [smem:$0x3FBB]  }
0x39: {  	_ = 	snop;
	(pc) =	sbr.ind lr, $3  }
0x3a: {  	_ = 	snop  }
0x3b: {  	_ = 	snop  }
0x3c: {  	p2 =	seq.s32 s10, $0x1;
	s10 =	sld [smem:$0x3FBA]  }
0x3d: {  	_ =	shalt  }
0x3e: {  	_ =	shalt  }
0x3f: {  	_ =	shalt  }
0x40: {  	_ =	shalt  }
0x41: {  	_ =	shalt  }
0x42: {  	_ =	shalt  }
0x43: {  	_ =	shalt  }
0x44: {  	_ =	shalt  }
0x45: {  	_ =	shalt  }
0x46: {  	_ =	shalt  }
0x47: {  	_ =	shalt  }
0x48: {  	_ =	shalt  }
0x49: {  	_ =	shalt  }
0x4a: {  	_ =	shalt  }
0x4b: {  	_ =	shalt  }
0x4c: {  	_ =	shalt  }
0x4d: {  	_ =	shalt  }
0x4e: {  	_ =	shalt  }
0x4f: {  	_ =	shalt  }
0x50: {  	_ =	shalt  }
0x51: {  	_ =	shalt  }
0x52: {  	_ =	shalt  }
0x53: {  	_ =	shalt  }
0x54: {  	_ =	shalt  }
0x55: {  	_ =	shalt  }
0x56: {  	_ =	shalt  }
0x57: {  	_ =	shalt  }
0x58: {  	_ =	shalt  }
0x59: {  	_ =	shalt  }
0x5a: {  	_ =	shalt  }
0x5b: {  	_ =	shalt  }
0x5c: {  	_ =	shalt  }
0x5d: {  	_ =	shalt  }
0x5e: {  	_ =	shalt  }
0x5f: {  	_ =	shalt  }
0x60: {  	_ =	shalt  }
0x61: {  	_ =	shalt  }
0x62: {  	_ =	shalt  }
0x63: {  	_ =	shalt  }
0x64: {  	_ =	shalt  }
0x65: {  	_ =	shalt  }
0x66: {  	_ =	shalt  }
0x67: {  	_ =	shalt  }
0x68: {  	_ =	shalt  }
0x69: {  	_ =	shalt  }
0x6a: {  	_ =	shalt  }
0x6b: {  	_ =	shalt  }
0x6c: {  	_ =	shalt  }
0x6d: {  	_ =	shalt  }
0x6e: {  	_ =	shalt  }
0x6f: {  	_ =	shalt  }
0x70: {  	_ =	shalt  }
0x71: {  	_ =	shalt  }
0x72: {  	_ =	shalt  }
0x73: {  	_ =	shalt  }
0x74: {  	_ =	shalt  }
0x75: {  	_ =	shalt  }
0x76: {  	_ =	shalt  }
0x77: {  	_ =	shalt  }
0x78: {  	_ =	shalt  }
0x79: {  	_ =	shalt  }
0x7a: {  	_ =	shalt  }
0x7b: {  	_ =	shalt  }
0x7c: {  	_ =	shalt  }
0x7d: {  	_ =	shalt  }
0x7e: {  	_ =	shalt  }
0x7f: {  	_ =	shalt  }
0x80: {  	_ =	shalt  }
0x81: {  	_ =	shalt  }
0x82: {  	_ =	shalt  }
0x83: {  	_ =	shalt  }
0x84: {  	_ =	shalt  }
0x85: {  	_ =	shalt  }
0x86: {  	_ =	shalt  }
0x87: {  	_ =	shalt  }
.Lfunc_end0:
.L_simem_size_0:
called_computation_lowered:
.L_overlay_start_0:
0x88: {  	s2 =	sld [smem:$0x3FD9]  }
0x89: {  	s3 =	sld [smem:$0x3FFE];
	_ =	sdelay $0x1  }
0x8a: {  	s1 =	srdreg.scid  }
0x8b: {  	s0 =	sand.u32 $0x1, s1  }
0x8c: {  	s17 =	sshll.u32 s0, $0xA;
	s2 =	sadd.s32 s3, s2  }
0x8d: {  	s2 =	sadd.s32 s2, s17  }
0x8e: {  	[smem:$0x3FC6] =	sst s2  }
0x8f: {  	_ = 	snop  }
0x90: {  	s2 =	sld [smem:$0x3FC9]  }
0x91: {  	s18 =	sld [smem:$0x3FD0];
	(tm) =	ssettm $0x1  }
0x92: {  	s4 =	sld [smem:$0x3FFB];
	_ =	sdelay $0x3  }
0x93: {  	_ =	strace s4  }
0x94: {  	s4 =	sld [smem:$0x3FFC];
	_ =	sdelay $0x3  }
0x95: {  	_ =	strace s4  }
0x96: {  	s4 =	sld [smem:$0x3FFD];
	_ =	sdelay $0x3  }
0x97: {  	_ =	strace s4  }
0x98: {  	_ =	strace $0x8FFFFFFF  }
0x99: {  	s19 =	sld [smem:$0x3FDB];
	_ =	sdelay $0x1  }
0x9a: {  	s5 =	simm.s32 $_scs_section_size  }
0x9b: {  	s6 =	simm.s32 $_size__tile_overlayer_lowered;
	s7 =	simm.s32 $_tile_overlayer_lowered  }
0x9c: {  	s22 =	simm.s32 $0x1BFF;
	s21 =	sshll.u32 s7, $0x1;
	s4 =	sadd.s32 s5, s19  }
0x9d: {  	s8 =	simm.s32 $0x0;
	s20 =	sshll.u32 s6, $0x1;
	s6 =	sadd.s32 s21, s4  }
0x9e: {  	[timem:s8], [sflag:s22] =	dma.local [hbm:s6], s20  }
0x9f: {  	_ =	swait.ge [sflag:s22], s20  }
0xa0: {  	s5 =	ssub.s32 $0x0, s20;
	[sflag:s22] =	ssyncset.done $0x0  }
0xa1: {  	[sflag:s22] =	ssyncadd.s32 s5;
	_ =	sdelay $0x1  }
0xa2: {  	s23 =	simm.s32 $0x1B8B  }
0xa3: {  	_ =	swait.ge [sflag:s23], $0x1  }
0xa4: {  	[sflag:s23] =	ssyncset.done $0x0  }
0xa5: {  	s25 =	simm.s32 $0x1B8E;
	s24 =	sld [smem:$0x3FFE];
	[sflag:s23] =	ssyncadd.s32 $0xFFFFFFFF  }
0xa6: {  	s26 =	simm.s32 $execute0_lowered;
	[smem:$0x3FD2] =	sst s25  }
0xa7: {  	s6 =	sshll.u32 s26, $0x1;
	_ =	strace $0x80000046;
	[dreg:$0x1] =	wrdreg $0xFFFFFFFF  }
0xa8: {  	s28 =	simm.s32 $_size_execute0_lowered;
	s4 =	sadd.s32 s4, s6;
	[dreg:$0x0] =	wrdreg $0x0  }
0xa9: {  	s6 =	sshll.u32 s28, $0x1;
	[dreg:$0x2] =	wrdreg s4  }
0xaa: {  	[dreg:$0x3] =	wrdreg s6  }
0xab: {  	[dreg:$0x4] =	wrdreg $0xC0  }
0xac: {  	_ =	task [dreg:s8], $0x5FFFF  }
0xad: {  	[dreg:$0x1] =	wrdreg $0xFFFFFFFF  }
0xae: {  	[dreg:$0x0] =	wrdreg $0x60  }
0xaf: {  	[dreg:$0x2] =	wrdreg s2  }
0xb0: {  	[dreg:$0x3] =	wrdreg s24  }
0xb1: {  	[dreg:$0x4] =	wrdreg s18  }
0xb2: {  	[dreg:$0x5] =	wrdreg $0x9  }
0xb3: {  	_ =	task.clear_ibuf [dreg:s8], $0x6FFFF;
	_ =	strace $0x90000046  }
0xb4: {  	s29 =	simm.s32 $0x9;
	_ =	strace $0x80000048  }
0xb5: {  	_ =	swait.ge [sflag:s29], $0x1  }
0xb6: {  	[sflag:s29] =	ssyncadd.s32 $0xFFFFFFFF  }
0xb7: {  	_ =	strace $0x90000048  }
0xb8: {  	_ =	sfence  }
0xb9: {  	s30 =	sld [smem:$0x0];
	_ =	sdelay $0x2  }
0xba: {  	s31 =	sshll.u32 s1, $0xD;
	s1 =	sshrl.u32 s1, $0x2  }
0xbb: {  	s3 =	sand.u32 $0x4000, s31;
	s1 =	sadd.s32 s1, s30  }
0xbc: {  	s0 =	sor.u32 s3, s0;
	s1 =	sshll.u32 s1, $0x11  }
0xbd: {  	s0 =	sor.u32 s1, s0  }
0xbe: {  	s0 =	sadd.s32 $0x8F2B, s0  }
0xbf: {  	[sflag:s0] =	ssyncadd.remote.s32 $0x1  }
0xc0: {  	_ =	sfence.sel $0xFFFF  }
0xc1: {  	[dreg:$0x0] =	wrdreg $0xFFFFFFFF;
	(pc) =	sbr.abs _section_cstart, $3  }
0xc2: {  	[dreg:$0x1] =	wrdreg $0xFFFFFFFF  }
0xc3: {  	_ =	task.clear_ibuf [dreg:s8], $0x2FFFF;
	_ =	strace $0x9FFFFFFF  }
0xc4: {  	(tm) =	ssettm $0x7FFFFFFF  }
0xc5: {  	_ =	shalt  }
tec
execute0_lowered:
.L_overlay_start_1:
0x0: {  	(tag) =	ssettag $0x1  }
0x1: {  	v0 =	vlaneseq.u32  }
0x2: {  	v0 =	vmul.u32 $0x88, v0  }
0x3: {  	s6 =	rddreg [dreg:$0x0];
	v1 =	vimm.s32 $0x0;
	vm0 =	vcmask $0x300  }
0x4: {  	s5 =	rddreg [dreg:$0x1];
	v1 =	vsel vm0, $0x3, v1;
	v2 =	vadd.s32 $0x880, v0  }
0x5: {  	s1 =	rddreg [dreg:$0x2];
	s3 =	srdreg.scid;
	v3 =	vadd.s32 $0x1100, v0;
	v4 =	vadd.s32 $0x1980, v0;
	v5 =	vor.u32 $0x1, v0  }
0x6: {  	s0 =	rddreg [dreg:$0x3];
	s2 =	stileid.u32;
	s10 =	simm.s32 $0x7;
	v6 =	vadd.s32 $0x881, v0;
	v7 =	vadd.s32 $0x1101, v0;
	v8 =	vadd.s32 $0x1981, v0  }
0x7: {  	s11 =	simm.s32 $0x80;
	s12 =	simm.s32 $0x6400;
	s13 =	simm.s32 $0x8400;
	v9 =	vor.u32 $0x2, v0;
	v10 =	vadd.s32 $0x882, v0;
	v11 =	vadd.s32 $0x1102, v0  }
0x8: {  	s14 =	simm.s32 $0x100;
	s15 =	simm.s32 $0xA400;
	s16 =	simm.s32 $0x5;
	v12 =	vadd.s32 $0x1982, v0;
	v13 =	vor.u32 $0x3, v0;
	v14 =	vadd.s32 $0x883, v0  }
0x9: {  	s17 =	simm.s32 $0x6;
	s18 =	simm.s32 $0x0;
	s4 =	sand.u32 $0x1, s3;
	v15 =	vadd.s32 $0x1103, v0;
	v16 =	vadd.s32 $0x1983, v0;
	v17 =	vor.u32 $0x4, v0  }
0xa: {  	s3 =	simm.s32 $0x0;
	s7 =	sshll.u32 s2, $0xB;
	s5 =	sadd.s32 $0xF42800, s5;
	v18 =	vadd.s32 $0x884, v0;
	v19 =	vadd.s32 $0x1104, v0;
	v20 =	vadd.s32 $0x1984, v0  }
0xb: {  	s8 =	sshll.u32 s4, $0xA;
	[smem:$0x7FF] =	sst s3;
	s9 =	ssub.s32 $0x2, s4;
	v21 =	vor.u32 $0x5, v0;
	v22 =	vadd.s32 $0x885, v0;
	v23 =	vadd.s32 $0x1105, v0  }
0xc: {  	s4 =	sor.u32 s8, s7;
	_ =	strace $0x80000047;
	s31 =	sshrl.u32 s9, $0x1;
	v24 =	vadd.s32 $0x1985, v0;
	v25 =	vor.u32 $0x6, v0;
	v26 =	vadd.s32 $0x886, v0  }
0xd: {  	v27 =	vadd.s32 $0x1106, v0;
	v28 =	vadd.s32 $0x1986, v0;
	v29 =	vor.u32 $0x7, v0;
	s8 =	sshrl.u32 s4, $0x3;
	s7 =	ssub.s32 s9, s31;
	s9 =	simm.s32 $0x8000  }
0xe: {  	v30 =	vadd.s32 $0x887, v0;
	v31 =	vadd.s32 $0x1107, v0;
	v32 =	vadd.s32 $0x1987, v0;
	s6 =	sadd.s32 s6, s8;
	s7 =	smax.u32 s7, $0x1;
	s8 =	simm.s32 $0x400  }
.LBB2_1:
0xf: {  	[tilespmem:s3], [sflag:$0x7] =	stream.strided.gather [hbm4b:s6+s8], $0x6400, s9, s8, $0x38;
	[tilespmem:$0x12800] =	vst v63  }
0x10: {  	_ =	swait.ge [sflag:s10], $0x6400  }
0x11: {  	[sflag:s10] =	ssyncset.done $0x0  }
0x12: {  	[sflag:s10] =	ssyncadd.s32 $0xFFFF9C00  }
0x13: {  	[tilespmem:s12], [sflag:$0x1] =	stream.indirect.gather [hbm4b:s5+s11], $0x40, s3, s11, $0xb8;
	[tilespmem:$0x12800] =	vst v63  }
0x14: {  	_ = 	snop  }
0x15: {  	[tilespmem:s13], [sflag:$0x2] =	stream.indirect.gather [hbm4b:s5+s11], $0x40, s11, s11, $0xb8;
	[tilespmem:$0x12800] =	vst v63  }
0x16: {  	p0 =	por $0x0, $0x0;
	s19 =	simm.s32 $0x0;
	s20 =	simm.s32 $0x0  }
0x17: {  	[tilespmem:s15], [sflag:$0x3] =	stream.indirect.gather [hbm4b:s5+s11], $0x40, s14, s11, $0xb8;
	[tilespmem:$0x12800] =	vst v63  }
.LBB2_2:
0x18: {  	p1 =	sgt.u32 s20, $0xC4  }
0x19: {  	s24 =	sand.u32 $0x3, s20;
	s26 =	simm.s32 $0x2;
	s21 =	sadd.s32 @!p1 $0x3, s20  }
0x1a: {  	s28 =	simm.s32 $0x3;
	s30 =	simm.s32 $0x7;
	s22 =	sand.u32 @!p1 $0x3, s21  }
0x1b: {  	s25 =	simm.s32 @!p1 $0x80;
	s21 =	sshll.u32 @!p1 s21, $0x7;
	s23 =	sshll.u32 @!p1 s22, $0xD  }
0x1c: {  	s21 =	sand.u32 @!p1 $0xFF80, s21;
	s22 =	sadd.s32 @!p1 $0x1, s22;
	s23 =	sadd.s32 @!p1 $0x6400, s23  }
0x1d: {  	[tilespmem:s23], [sflag:s22] =	stream.indirect.gather @!p1 [hbm4b:s5+s25], $0x40, s21, s25, $0xb8;
	[tilespmem:$0x12800] =	vst v63  }
0x1e: {  	s29 =	simm.s32 $0x4;
	s31 =	simm.s32 $0x5;
	v35 =	vmov s26;
	v36 =	vmov s28;
	v38 =	vmov s30;
	s22 =	sadd.s32 $0x1, s24  }
0x1f: {  	v37 =	vmov s29;
	v39 =	vmov s31;
	s26 =	simm.s32 $0x6;
	v38 =	vshrl.u32 v38, $0x3;
	s21 =	sand.u32 $0x1, s20;
	_ =	swait.ge [sflag:s22], $0x2000  }
0x20: {  	v40 =	vmov s26;
	v35 =	vshrl.u32 v35, $0x3;
	v36 =	vshrl.u32 v36, $0x3;
	s24 =	simm.s32 $0x0;
	p1 =	slt.u32 s20, $0x2;
	[sflag:s22] =	ssyncset.done $0x0  }
0x21: {  	v37 =	vshrl.u32 v37, $0x3;
	v55 =	vshrl.u32 v39, $0x3;
	s25 =	simm.s32 $0x1;
	v33 =	vmov s24;
	[sflag:s22] =	ssyncadd.s32 $0xFFFFE000;
	s22 =	sadd.s32 @!p1 $0x5, s21  }
0x22: {  	s28 =	sand.u32 $0x3, s19;
	v38 =	vshll.u32 v38, v1;
	v34 =	vmov s25;
	v33 =	vshrl.u32 v33, $0x3;
	_ =	swait.ge @!p1 [sflag:s22], $0x2000  }
0x23: {  	s29 =	sshll.u32 s28, $0xD;
	v38 =	vbroadcast v38, $0x0;
	v34 =	vshrl.u32 v34, $0x3;
	v33 =	vshll.u32 v33, v1;
	[sflag:s22] =	ssyncset.done @!p1 $0x0  }
0x24: {  	v51 =	vshll.u32 v35, v1;
	s24 =	sadd.s32 $0x6500, s29;
	v34 =	vshll.u32 v34, v1;
	v33 =	vbroadcast v33, $0x0;
	[sflag:s22] =	ssyncadd.s32 @!p1 $0xFFFFE000  }
0x25: {  	v52 =	vshll.u32 v36, v1;
	v42 =	vadd.s32 v29, v38;
	v47 =	vbroadcast v34, $0x0;
	v41 =	vld [tilespmem:s24+$0xC0]  }
0x26: {  	v54 =	vshll.u32 v37, v1;
	v53 =	vbroadcast v51, $0x0;
	s30 =	smul.u32 $0x8800, s21;
	v44 =	vadd.s32 v0, v33;
	v43 =	vld [tilespmem:s24+$0xFFFFFF00]  }
0x27: {  	v36 =	vshll.u32 v55, v1;
	v34 =	vbroadcast v52, $0x0;
	v46 =	vadd.s32 v5, v47;
	v45 =	vld [tilespmem:s24+$0xFFFFFF40]  }
0x28: {  	v40 =	vshrl.u32 v40, $0x3;
	v35 =	vbroadcast v54, $0x0;
	v49 =	vadd.s32 v9, v53;
	s22 =	sshrl.u32 s30, $0x2;
	v48 =	vld [tilespmem:s24+$0xFFFFFF80]  }
0x29: {  	v37 =	vbroadcast v36, $0x0;
	v56 =	vshll.u32 v40, v1;
	v50 =	vadd.s32 v13, v34;
	s22 =	sadd.s32 $0xE400, s22;
	v39 =	vld [tilespmem:s24+$0xFFFFFFC0]  }
0x2a: {  	v36 =	vbroadcast v56, $0x0;
	v52 =	vadd.s32 v17, v35;
	v51 =	vld [tilespmem:s24+$0x0];
	[tilespmem:v42+s22+$0x0] =	vst.idx.msk $0xffff, v41  }
0x2b: {  	v60 =	vadd.s32 v21, v37;
	v59 =	vld [tilespmem:s24+$0x40];
	[tilespmem:v44+s22+$0x0] =	vst.idx.msk $0xffff, v43  }
0x2c: {  	v62 =	vadd.s32 v25, v36;
	v61 =	vld [tilespmem:s24+$0x80];
	[tilespmem:v46+s22+$0x0] =	vst.idx.msk $0xffff, v45  }
0x2d: {  	v58 =	vadd.s32 v30, v38;
	[tilespmem:v49+s22+$0x0] =	vst.idx.msk $0xffff, v48;
	v57 =	vld [tilespmem:s24+$0xD0]  }
0x2e: {  	v63 =	vadd.s32 v6, v47;
	[tilespmem:v50+s22+$0x0] =	vst.idx.msk $0xffff, v39;
	v46 =	vld [tilespmem:s24+$0xFFFFFF50]  }
0x2f: {  	v55 =	vadd.s32 v10, v53;
	[tilespmem:v52+s22+$0x0] =	vst.idx.msk $0xffff, v51;
	v54 =	vld [tilespmem:s24+$0xFFFFFF90]  }
0x30: {  	v56 =	vadd.s32 v14, v34;
	[tilespmem:v60+s22+$0x0] =	vst.idx.msk $0xffff, v59;
	v50 =	vld [tilespmem:s24+$0xFFFFFFD0]  }
0x31: {  	[tilespmem:v62+s22+$0x0] =	vst.idx.msk $0xffff, v61;
	v45 =	vadd.s32 v22, v37;
	v44 =	vld [tilespmem:s24+$0x50]  }
0x32: {  	v59 =	vadd.s32 v18, v35;
	[tilespmem:v58+s22+$0x0] =	vst.idx.msk $0xffff, v57;
	v58 =	vld [tilespmem:s24+$0x10]  }
0x33: {  	v57 =	vadd.s32 v31, v38;
	[tilespmem:v63+s22+$0x0] =	vst.idx.msk $0xffff, v46;
	v40 =	vld [tilespmem:s24+$0xE0]  }
0x34: {  	v62 =	vadd.s32 v2, v33;
	v61 =	vld [tilespmem:s24+$0xFFFFFF10];
	[tilespmem:v55+s22+$0x0] =	vst.idx.msk $0xffff, v54  }
0x35: {  	v60 =	vadd.s32 v26, v36;
	v63 =	vld [tilespmem:s24+$0x90];
	[tilespmem:v56+s22+$0x0] =	vst.idx.msk $0xffff, v50  }
0x36: {  	v51 =	vadd.s32 v7, v47;
	[tilespmem:v45+s22+$0x0] =	vst.idx.msk $0xffff, v44;
	v50 =	vld [tilespmem:s24+$0xFFFFFF60]  }
0x37: {  	v56 =	vadd.s32 v11, v53;
	v55 =	vld [tilespmem:s24+$0xFFFFFFA0];
	[tilespmem:v59+s22+$0x0] =	vst.idx.msk $0xffff, v58  }
0x38: {  	v58 =	vadd.s32 v15, v34;
	[tilespmem:v57+s22+$0x0] =	vst.idx.msk $0xffff, v40;
	v57 =	vld [tilespmem:s24+$0xFFFFFFE0]  }
0x39: {  	v38 =	vadd.s32 v32, v38;
	[tilespmem:v62+s22+$0x0] =	vst.idx.msk $0xffff, v61;
	v52 =	vld [tilespmem:s24+$0xF0]  }
0x3a: {  	s23 =	simm.s32 $0x1;
	[tilespmem:v60+s22+$0x0] =	vst.idx.msk $0xffff, v63;
	v60 =	vadd.s32 v19, v35;
	v59 =	vld [tilespmem:s24+$0x20]  }
0x3b: {  	s28 =	simm.s32 $0xA;
	s23 =	simm.s32 @!p0 $0x0;
	s29 =	simm.s32 $0xC;
	v41 =	vadd.s32 v23, v37;
	v43 =	vadd.s32 v27, v36;
	[tilespmem:v51+s22+$0x0] =	vst.idx.msk $0xffff, v50;
	v40 =	vld [tilespmem:s24+$0x60]  }
0x3c: {  	s31 =	simm.s32 $0x8;
	s26 =	simm.s32 $0x9;
	s23 =	smul.u32 $0x8800, s23;
	v48 =	vadd.s32 v3, v33;
	v54 =	vmov s28;
	v46 =	vmov s29;
	v42 =	vld [tilespmem:s24+$0xA0];
	[tilespmem:v56+s22+$0x0] =	vst.idx.msk $0xffff, v55  }
0x3d: {  	v53 =	vadd.s32 v12, v53;
	v45 =	vld [tilespmem:s24+$0xFFFFFF20];
	v63 =	vmov s31;
	v51 =	vmov s26;
	s26 =	simm.s32 $0xB;
	[tilespmem:v58+s22+$0x0] =	vst.idx.msk $0xffff, v57  }
0x3e: {  	s23 =	sshrl.u32 s23, $0x2;
	s30 =	simm.s32 $0xD;
	s31 =	simm.s32 $0xE;
	v39 =	vshrl.u32 v63, $0x3;
	v44 =	vmov s26;
	v49 =	vld [tilespmem:s24+$0xFFFFFF70];
	[tilespmem:v38+s22+$0x0] =	vst.idx.msk $0xffff, v52;
	v52 =	vadd.s32 v8, v47  }
0x3f: {  	s25 =	simm.s32 $0x10;
	s23 =	sadd.s32 $0xE400, s23;
	s26 =	simm.s32 $0xF;
	v50 =	vld [tilespmem:s24+$0xFFFFFFB0];
	[tilespmem:v60+s22+$0x0] =	vst.idx.msk $0xffff, v59;
	v38 =	vmov s30;
	v47 =	vshll.u32 v39, v1;
	v39 =	vmov s31  }
.LBB2_3:
0x40: {  	p1 =	slt.u32 s25, $0x78;
	v51 =	vshrl.u32 v51, $0x3;
	v55 =	vmov s26;
	v56 =	vld [tilespmem:s24+$0xFFFFFFF0];
	v34 =	vadd.s32 v16, v34;
	[tilespmem:v41+s22+$0x0] =	vst.idx.msk $0xffff, v40  }
0x41: {  	v40 =	vshrl.u32 v54, $0x3;
	v35 =	vadd.s32 v20, v35;
	v41 =	vshrl.u32 v55, $0x3;
	v54 =	vld [tilespmem:s24+$0x30];
	[tilespmem:v43+s22+$0x0] =	vst.idx.msk $0xffff, v42  }
0x42: {  	v37 =	vadd.s32 v24, v37;
	v42 =	vshrl.u32 v44, $0x3;
	v41 =	vshll.u32 v41, v1;
	[tilespmem:v48+s22+$0x0] =	vst.idx.msk $0xffff, v45;
	v43 =	vld [tilespmem:s24+$0x70]  }
0x43: {  	v36 =	vadd.s32 v28, v36;
	v44 =	vshrl.u32 v46, $0x3;
	v41 =	vbroadcast v41, $0x0;
	[tilespmem:v52+s22+$0x0] =	vst.idx.msk $0xffff, v49;
	v45 =	vld [tilespmem:s24+$0xB0]  }
0x44: {  	v46 =	vshll.u32 v51, v1;
	v49 =	vadd.s32 v4, v33;
	v33 =	vbroadcast v47, $0x0;
	v48 =	vld [tilespmem:s24+$0xFFFFFF30];
	[tilespmem:v53+s22+$0x0] =	vst.idx.msk $0xffff, v50;
	s24 =	sadd.s32 $0x200, s24  }
0x45: {  	v40 =	vshll.u32 v40, v1;
	v47 =	vbroadcast v46, $0x0;
	v46 =	vld [tilespmem:s24+$0xC0];
	v50 =	vadd.s32 v29, v41;
	[tilespmem:v34+s22+$0x0] =	vst.idx.msk $0xffff, v56  }
0x46: {  	v53 =	vbroadcast v40, $0x0;
	v52 =	vadd.s32 v0, v33;
	v34 =	vshll.u32 v42, v1;
	v51 =	vld [tilespmem:s24+$0xFFFFFF00];
	[tilespmem:v35+s22+$0x0] =	vst.idx.msk $0xffff, v54  }
0x47: {  	v42 =	vadd.s32 v5, v47;
	v34 =	vbroadcast v34, $0x0;
	v35 =	vshll.u32 v44, v1;
	v40 =	vld [tilespmem:s24+$0xFFFFFF40];
	[tilespmem:v37+s22+$0x0] =	vst.idx.msk $0xffff, v43  }
0x48: {  	v44 =	vadd.s32 v9, v53;
	v35 =	vbroadcast v35, $0x0;
	v37 =	vshrl.u32 v38, $0x3;
	v43 =	vld [tilespmem:s24+$0xFFFFFF80];
	[tilespmem:v36+s22+$0x0] =	vst.idx.msk $0xffff, v45  }
0x49: {  	v39 =	vshrl.u32 v39, $0x3;
	v45 =	vadd.s32 v13, v34;
	v36 =	vshll.u32 v37, v1;
	v38 =	vld [tilespmem:s24+$0xFFFFFFC0];
	[tilespmem:v49+s22+$0x0] =	vst.idx.msk $0xffff, v48  }
0x4a: {  	v49 =	vadd.s32 v17, v35;
	v37 =	vbroadcast v36, $0x0;
	v36 =	vshll.u32 v39, v1;
	v48 =	vld [tilespmem:s24+$0x0];
	[tilespmem:v50+s22+$0x0] =	vst.idx.msk $0xffff, v46  }
0x4b: {  	v36 =	vbroadcast v36, $0x0;
	v46 =	vadd.s32 v30, v41;
	[tilespmem:v52+s22+$0x0] =	vst.idx.msk $0xffff, v51;
	v39 =	vld [tilespmem:s24+$0xD0]  }
0x4c: {  	[tilespmem:v42+s22+$0x0] =	vst.idx.msk $0xffff, v40;
	v40 =	vld [tilespmem:s24+$0x40];
	v42 =	vadd.s32 v21, v37  }
0x4d: {  	[tilespmem:v44+s22+$0x0] =	vst.idx.msk $0xffff, v43;
	v43 =	vld [tilespmem:s24+$0x80];
	v44 =	vadd.s32 v25, v36  }
0x4e: {  	v51 =	vadd.s32 v6, v47;
	v50 =	vld [tilespmem:s24+$0xFFFFFF50];
	[tilespmem:v45+s22+$0x0] =	vst.idx.msk $0xffff, v38  }
0x4f: {  	v45 =	vadd.s32 v10, v53;
	v38 =	vld [tilespmem:s24+$0xFFFFFF90];
	[tilespmem:v49+s22+$0x0] =	vst.idx.msk $0xffff, v48  }
0x50: {  	v49 =	vadd.s32 v14, v34;
	v48 =	vld [tilespmem:s24+$0xFFFFFFD0];
	[tilespmem:v46+s22+$0x0] =	vst.idx.msk $0xffff, v39  }
0x51: {  	[tilespmem:v42+s22+$0x0] =	vst.idx.msk $0xffff, v40;
	v39 =	vld [tilespmem:s24+$0xE0];
	v40 =	vadd.s32 v31, v41  }
0x52: {  	v46 =	vadd.s32 v18, v35;
	v42 =	vld [tilespmem:s24+$0x10];
	[tilespmem:v44+s22+$0x0] =	vst.idx.msk $0xffff, v43  }
0x53: {  	v44 =	vadd.s32 v22, v37;
	[tilespmem:v51+s22+$0x0] =	vst.idx.msk $0xffff, v50;
	v43 =	vld [tilespmem:s24+$0x50]  }
0x54: {  	[tilespmem:v45+s22+$0x0] =	vst.idx.msk $0xffff, v38;
	v38 =	vld [tilespmem:s24+$0x90];
	v45 =	vadd.s32 v26, v36  }
0x55: {  	v51 =	vadd.s32 v2, v33;
	v50 =	vld [tilespmem:s24+$0xFFFFFF10];
	[tilespmem:v49+s22+$0x0] =	vst.idx.msk $0xffff, v48  }
0x56: {  	v49 =	vadd.s32 v7, v47;
	v48 =	vld [tilespmem:s24+$0xFFFFFF60];
	[tilespmem:v40+s22+$0x0] =	vst.idx.msk $0xffff, v39  }
0x57: {  	[tilespmem:v46+s22+$0x0] =	vst.idx.msk $0xffff, v42;
	v39 =	vld [tilespmem:s24+$0xF0];
	v46 =	vadd.s32 v32, v41  }
0x58: {  	v55 =	vadd.s32 v11, v53;
	v52 =	vld [tilespmem:s24+$0xFFFFFFA0];
	[tilespmem:v44+s22+$0x0] =	vst.idx.msk $0xffff, v43  }
0x59: {  	v57 =	vadd.s32 v15, v34;
	v56 =	vld [tilespmem:s24+$0xFFFFFFE0];
	[tilespmem:v45+s22+$0x0] =	vst.idx.msk $0xffff, v38  }
0x5a: {  	v59 =	vadd.s32 v19, v35;
	[tilespmem:v51+s22+$0x0] =	vst.idx.msk $0xffff, v50;
	v58 =	vld [tilespmem:s24+$0x20]  }
.Ltmp0:
0x5b: {  	s26 =	sadd.s32 $0x1, s25;
	v41 =	vadd.s32 v23, v37;
	v38 =	vmov s25;
	[tilespmem:v49+s22+$0x0] =	vst.idx.msk $0xffff, v48;
	v40 =	vld [tilespmem:s24+$0x60];
	(pc) =	sbr.rel @p1 .LBB2_3-.Ltmp0, $4  }
0x5c: {  	s28 =	sadd.s32 $0x3, s25;
	v43 =	vadd.s32 v27, v36;
	v50 =	vshrl.u32 v38, $0x3;
	v51 =	vmov s26;
	s26 =	sadd.s32 $0x2, s25;
	v42 =	vld [tilespmem:s24+$0xA0];
	[tilespmem:v46+s22+$0x0] =	vst.idx.msk $0xffff, v39  }
0x5d: {  	v44 =	vmov s28;
	s28 =	sadd.s32 $0x5, s25;
	v54 =	vmov s26;
	s26 =	sadd.s32 $0x4, s25;
	v48 =	vadd.s32 v3, v33;
	v45 =	vld [tilespmem:s24+$0xFFFFFF20];
	[tilespmem:v55+s22+$0x0] =	vst.idx.msk $0xffff, v52  }
0x5e: {  	v38 =	vmov s28;
	v46 =	vmov s26;
	s26 =	sadd.s32 $0x6, s25;
	v52 =	vadd.s32 v8, v47;
	v49 =	vld [tilespmem:s24+$0xFFFFFF70];
	[tilespmem:v57+s22+$0x0] =	vst.idx.msk $0xffff, v56  }
0x5f: {  	v53 =	vadd.s32 v12, v53;
	v47 =	vshll.u32 v50, v1;
	v39 =	vmov s26;
	s26 =	sadd.s32 $0x7, s25;
	s25 =	sadd.s32 $0x8, s25;
	v50 =	vld [tilespmem:s24+$0xFFFFFFB0];
	[tilespmem:v59+s22+$0x0] =	vst.idx.msk $0xffff, v58  }
0x60: {  	_ =	sdelay $0x2  }
0x61: {  	v51 =	vshrl.u32 v51, $0x3  }
0x62: {  	v55 =	vmov s26;
	v56 =	vld [tilespmem:s24+$0xFFFFFFF0];
	v34 =	vadd.s32 v16, v34;
	[tilespmem:v41+s22+$0x0] =	vst.idx.msk $0xffff, v40;
	v57 =	vshrl.u32 v54, $0x3  }
0x63: {  	v59 =	vld [tilespmem:s24+$0x30];
	v35 =	vadd.s32 v20, v35;
	v60 =	vshrl.u32 v44, $0x3;
	v58 =	vshrl.u32 v55, $0x3;
	[tilespmem:v43+s22+$0x0] =	vst.idx.msk $0xffff, v42  }
0x64: {  	v37 =	vadd.s32 v24, v37;
	v62 =	vshrl.u32 v46, $0x3;
	v61 =	vld [tilespmem:s24+$0x70];
	v41 =	vshll.u32 v58, v1;
	[tilespmem:v48+s22+$0x0] =	vst.idx.msk $0xffff, v45  }
0x65: {  	v36 =	vadd.s32 v28, v36;
	v46 =	vbroadcast v47, $0x0;
	v63 =	vld [tilespmem:s24+$0xB0];
	v41 =	vbroadcast v41, $0x0;
	[tilespmem:v52+s22+$0x0] =	vst.idx.msk $0xffff, v49  }
0x66: {  	v33 =	vadd.s32 v4, v33;
	s25 =	sadd.s32 $0x200, s24;
	v38 =	vshrl.u32 v38, $0x3;
	v55 =	vshll.u32 v51, v1;
	v48 =	vld [tilespmem:s24+$0xFFFFFF30];
	[tilespmem:v53+s22+$0x0] =	vst.idx.msk $0xffff, v50  }
0x67: {  	v40 =	vshll.u32 v57, v1;
	v47 =	vbroadcast v55, $0x0;
	v49 =	vld [tilespmem:s25+$0xC0];
	v50 =	vadd.s32 v29, v41;
	[tilespmem:v34+s22+$0x0] =	vst.idx.msk $0xffff, v56  }
0x68: {  	v42 =	vshll.u32 v60, v1;
	v40 =	vbroadcast v40, $0x0;
	v34 =	vld [tilespmem:s25+$0xFFFFFF00];
	v56 =	vadd.s32 v0, v46;
	[tilespmem:v35+s22+$0x0] =	vst.idx.msk $0xffff, v59  }
0x69: {  	v57 =	vld [tilespmem:s25+$0xFFFFFF40];
	v44 =	vshll.u32 v62, v1;
	v42 =	vbroadcast v42, $0x0;
	v58 =	vadd.s32 v5, v47;
	[tilespmem:v37+s22+$0x0] =	vst.idx.msk $0xffff, v61  }
0x6a: {  	v38 =	vshll.u32 v38, v1;
	v44 =	vbroadcast v44, $0x0;
	v60 =	vadd.s32 v9, v40;
	v59 =	vld [tilespmem:s25+$0xFFFFFF80];
	[tilespmem:v36+s22+$0x0] =	vst.idx.msk $0xffff, v63  }
0x6b: {  	v38 =	vbroadcast v38, $0x0;
	v62 =	vadd.s32 v13, v42;
	v61 =	vld [tilespmem:s25+$0xFFFFFFC0];
	[tilespmem:v33+s22+$0x0] =	vst.idx.msk $0xffff, v48  }
0x6c: {  	v39 =	vshrl.u32 v39, $0x3;
	v63 =	vadd.s32 v17, v44;
	v33 =	vld [tilespmem:s25+$0x0];
	[tilespmem:v50+s22+$0x0] =	vst.idx.msk $0xffff, v49  }
0x6d: {  	v39 =	vshll.u32 v39, v1;
	v35 =	vld [tilespmem:s25+$0x40];
	[tilespmem:v56+s22+$0x0] =	vst.idx.msk $0xffff, v34;
	v56 =	vadd.s32 v21, v38  }
0x6e: {  	[tilespmem:v58+s22+$0x0] =	vst.idx.msk $0xffff, v57;
	v34 =	vbroadcast v39, $0x0;
	v49 =	vadd.s32 v30, v41;
	v39 =	vld [tilespmem:s25+$0xD0]  }
0x6f: {  	[tilespmem:v60+s22+$0x0] =	vst.idx.msk $0xffff, v59;
	v59 =	vld [tilespmem:s25+$0xFFFFFF50];
	v60 =	vadd.s32 v6, v47  }
0x70: {  	v57 =	vld [tilespmem:s25+$0x80];
	[tilespmem:v62+s22+$0x0] =	vst.idx.msk $0xffff, v61;
	v58 =	vadd.s32 v25, v34  }
0x71: {  	v61 =	vld [tilespmem:s25+$0xFFFFFF90];
	v62 =	vadd.s32 v10, v40;
	[tilespmem:v63+s22+$0x0] =	vst.idx.msk $0xffff, v33  }
0x72: {  	v33 =	vld [tilespmem:s25+$0xFFFFFFD0];
	v63 =	vadd.s32 v14, v42;
	[tilespmem:v56+s22+$0x0] =	vst.idx.msk $0xffff, v35  }
0x73: {  	v56 =	vadd.s32 v18, v44;
	[tilespmem:v49+s22+$0x0] =	vst.idx.msk $0xffff, v39;
	v49 =	vld [tilespmem:s25+$0x10]  }
0x74: {  	[tilespmem:v60+s22+$0x0] =	vst.idx.msk $0xffff, v59;
	v39 =	vadd.s32 v31, v41;
	v35 =	vld [tilespmem:s25+$0xE0]  }
0x75: {  	[tilespmem:v58+s22+$0x0] =	vst.idx.msk $0xffff, v57;
	v57 =	vld [tilespmem:s25+$0x50];
	v58 =	vadd.s32 v22, v38  }
0x76: {  	[tilespmem:v62+s22+$0x0] =	vst.idx.msk $0xffff, v61;
	v61 =	vld [tilespmem:s25+$0xFFFFFF10];
	v62 =	vadd.s32 v2, v46  }
0x77: {  	v60 =	vadd.s32 v26, v34;
	v59 =	vld [tilespmem:s25+$0x90];
	[tilespmem:v63+s22+$0x0] =	vst.idx.msk $0xffff, v33  }
0x78: {  	v55 =	vadd.s32 v11, v40;
	v54 =	vadd.s32 v32, v41;
	v41 =	vld [tilespmem:s25+$0xFFFFFFA0];
	[tilespmem:v56+s22+$0x0] =	vst.idx.msk $0xffff, v49  }
0x79: {  	v53 =	vadd.s32 v7, v47;
	v63 =	vld [tilespmem:s25+$0xFFFFFF60];
	[tilespmem:v39+s22+$0x0] =	vst.idx.msk $0xffff, v35  }
0x7a: {  	v56 =	vld [tilespmem:s25+$0xFFFFFFE0];
	[tilespmem:v58+s22+$0x0] =	vst.idx.msk $0xffff, v57;
	v57 =	vadd.s32 v15, v42  }
0x7b: {  	[tilespmem:v62+s22+$0x0] =	vst.idx.msk $0xffff, v61;
	v35 =	vld [tilespmem:s25+$0xF0]  }
0x7c: {  	v58 =	vld [tilespmem:s25+$0x20];
	[tilespmem:v60+s22+$0x0] =	vst.idx.msk $0xffff, v59;
	v59 =	vadd.s32 v19, v44  }
0x7d: {  	v61 =	vadd.s32 v23, v38;
	[tilespmem:v55+s22+$0x0] =	vst.idx.msk $0xffff, v41;
	v60 =	vld [tilespmem:s25+$0x60]  }
0x7e: {  	[tilespmem:v53+s22+$0x0] =	vst.idx.msk $0xffff, v63;
	v63 =	vadd.s32 v27, v34;
	v62 =	vld [tilespmem:s25+$0xA0]  }
0x7f: {  	v47 =	vadd.s32 v8, v47;
	v55 =	vld [tilespmem:s25+$0xFFFFFF70];
	[tilespmem:v57+s22+$0x0] =	vst.idx.msk $0xffff, v56  }
0x80: {  	v53 =	vld [tilespmem:s25+$0xFFFFFF20];
	[tilespmem:v54+s22+$0x0] =	vst.idx.msk $0xffff, v35;
	v54 =	vadd.s32 v3, v46  }
0x81: {  	v40 =	vadd.s32 v12, v40;
	v56 =	vld [tilespmem:s25+$0xFFFFFFB0];
	[tilespmem:v59+s22+$0x0] =	vst.idx.msk $0xffff, v58  }
0x82: {  	v42 =	vadd.s32 v16, v42;
	v57 =	vld [tilespmem:s25+$0xFFFFFFF0];
	[tilespmem:v61+s22+$0x0] =	vst.idx.msk $0xffff, v60  }
0x83: {  	v59 =	vadd.s32 v20, v44;
	v58 =	vld [tilespmem:s25+$0x30];
	[tilespmem:v63+s22+$0x0] =	vst.idx.msk $0xffff, v62  }
0x84: {  	v38 =	vadd.s32 v24, v38;
	v60 =	vld [tilespmem:s25+$0x70];
	[tilespmem:v47+s22+$0x0] =	vst.idx.msk $0xffff, v55  }
0x85: {  	v34 =	vadd.s32 v28, v34;
	v61 =	vld [tilespmem:s25+$0xB0];
	[tilespmem:v54+s22+$0x0] =	vst.idx.msk $0xffff, v53  }
0x86: {  	v63 =	vadd.s32 v4, v46;
	[tilespmem:v40+s22+$0x0] =	vst.idx.msk $0xffff, v56;
	v62 =	vld [tilespmem:s25+$0xFFFFFF30]  }
0x87: {  	[tilespmem:v42+s22+$0x0] =	vst.idx.msk $0xffff, v57  }
0x88: {  	s26 =	sshll.u32 s20, $0x12;
	[tilespmem:v59+s22+$0x0] =	vst.idx.msk $0xffff, v58  }
0x89: {  	s24 =	sor.u32 s4, s26;
	[tilespmem:v38+s22+$0x0] =	vst.idx.msk $0xffff, v60  }
0x8a: {  	s24 =	sshrl.u32 s24, $0x3;
	[tilespmem:v34+s22+$0x0] =	vst.idx.msk $0xffff, v61  }
0x8b: {  	s21 =	sadd.s32 $0x5, s21;
	s26 =	sadd.s32 $0x0, s23;
	[tilespmem:v63+s22+$0x0] =	vst.idx.msk $0xffff, v62;
	s22 =	sadd.s32 s1, s24  }
0x8c: {  	[hbm4b:s22+s3] =	stream.linear.scatter [tilespmem:s26], [sflag:s21], $0x80, $0x38;
	[tilespmem:$0x12800] =	vst v63  }
0x8d: {  	s29 =	sadd.s32 $0x88, s26;
	s25 =	sadd.s32 $0x10, s22  }
0x8e: {  	[hbm4b:s25+s3] =	stream.linear.scatter [tilespmem:s29], [sflag:s21], $0x80, $0x38;
	[tilespmem:$0x12800] =	vst v63  }
0x8f: {  	s30 =	sadd.s32 $0x110, s26;
	s24 =	simm.s32 $0x440;
	s31 =	sadd.s32 $0x20, s22  }
0x90: {  	[hbm4b:s31+s3] =	stream.linear.scatter [tilespmem:s30], [sflag:s21], $0x80, $0x38;
	[tilespmem:$0x12800] =	vst v63  }
0x91: {  	s28 =	sadd.s32 $0x70, s22;
	s25 =	sadd.s32 $0x198, s26;
	s29 =	sadd.s32 $0x30, s22  }
0x92: {  	[hbm4b:s29+s3] =	stream.linear.scatter [tilespmem:s25], [sflag:s21], $0x80, $0x38;
	[tilespmem:$0x12800] =	vst v63  }
0x93: {  	s30 =	sadd.s32 $0x220, s26;
	s31 =	sadd.s32 $0x40, s22;
	s25 =	sadd.s32 $0x2A8, s26  }
0x94: {  	[hbm4b:s31+s3] =	stream.linear.scatter [tilespmem:s30], [sflag:s21], $0x80, $0x38;
	[tilespmem:$0x12800] =	vst v63  }
0x95: {  	s29 =	sadd.s32 $0x50, s22;
	s30 =	sadd.s32 $0x330, s26;
	s31 =	sadd.s32 $0x60, s22  }
0x96: {  	[hbm4b:s29+s3] =	stream.linear.scatter [tilespmem:s25], [sflag:s21], $0x80, $0x38;
	[tilespmem:$0x12800] =	vst v63  }
0x97: {  	s26 =	sadd.s32 $0x3B8, s26;
	s22 =	sadd.s32 $0x1000, s22;
	s25 =	simm.s32 $0x2200  }
0x98: {  	[hbm4b:s31+s3] =	stream.linear.scatter [tilespmem:s30], [sflag:s21], $0x80, $0x38;
	[tilespmem:$0x12800] =	vst v63  }
.LBB2_5:
0x99: {  	[hbm4b:s28+s3] =	stream.linear.scatter [tilespmem:s26], [sflag:s21], $0x80, $0x38;
	[tilespmem:$0x12800] =	vst v63  }
0x9a: {  	s26 =	smov.u32 s25  }
0x9b: {  	s29 =	sadd.s32 $0x1100, s25;
	s28 =	sadd.s32 s24, s23;
	s24 =	sshra.s32 s26, $0x2  }
0x9c: {  	[hbm4b:s22+s3] =	stream.linear.scatter [tilespmem:s28], [sflag:s21], $0x80, $0x38;
	[tilespmem:$0x12800] =	vst v63  }
0x9d: {  	p1 =	sne.s32 s25, $0x7700;
	s25 =	sadd.s32 $0x88, s28;
	s26 =	sadd.s32 $0x10, s22  }
0x9e: {  	[hbm4b:s26+s3] =	stream.linear.scatter [tilespmem:s25], [sflag:s21], $0x80, $0x38;
	[tilespmem:$0x12800] =	vst v63  }
0x9f: {  	s25 =	sadd.s32 $0x110, s28;
	s26 =	sadd.s32 $0x20, s22  }
0xa0: {  	[hbm4b:s26+s3] =	stream.linear.scatter [tilespmem:s25], [sflag:s21], $0x80, $0x38;
	[tilespmem:$0x12800] =	vst v63  }
0xa1: {  	s25 =	sadd.s32 $0x198, s28;
	s26 =	sadd.s32 $0x30, s22  }
0xa2: {  	[hbm4b:s26+s3] =	stream.linear.scatter [tilespmem:s25], [sflag:s21], $0x80, $0x38;
	[tilespmem:$0x12800] =	vst v63  }
0xa3: {  	s25 =	sadd.s32 $0x220, s28;
	s26 =	sadd.s32 $0x40, s22  }
0xa4: {  	[hbm4b:s26+s3] =	stream.linear.scatter [tilespmem:s25], [sflag:s21], $0x80, $0x38;
	[tilespmem:$0x12800] =	vst v63  }
0xa5: {  	s25 =	sadd.s32 $0x2A8, s28;
	s26 =	sadd.s32 $0x50, s22  }
0xa6: {  	[hbm4b:s26+s3] =	stream.linear.scatter [tilespmem:s25], [sflag:s21], $0x80, $0x38;
	[tilespmem:$0x12800] =	vst v63  }
.Ltmp1:
0xa7: {  	_ = 	snop;
	(pc) =	sbr.rel @p1 .LBB2_5-.Ltmp1, $4  }
0xa8: {  	s25 =	sadd.s32 $0x330, s28;
	s26 =	sadd.s32 $0x60, s22  }
0xa9: {  	[hbm4b:s26+s3] =	stream.linear.scatter [tilespmem:s25], [sflag:s21], $0x80, $0x38;
	[tilespmem:$0x12800] =	vst v63  }
0xaa: {  	s26 =	sadd.s32 $0x3B8, s28  }
0xab: {  	s28 =	sadd.s32 $0x70, s22;
	s22 =	sadd.s32 $0x1000, s22;
	s25 =	smov.u32 s29  }
0xac: {  	[hbm4b:s28+s3] =	stream.linear.scatter [tilespmem:s26], [sflag:s21], $0x80, $0x38;
	[tilespmem:$0x12800] =	vst v63  }
0xad: {  	s23 =	sadd.s32 s24, s23  }
0xae: {  	[hbm4b:s22+s3] =	stream.linear.scatter [tilespmem:s23], [sflag:s21], $0x80, $0x38;
	[tilespmem:$0x12800] =	vst v63  }
0xaf: {  	s25 =	sadd.s32 $0x10, s22;
	s24 =	sadd.s32 $0x88, s23  }
0xb0: {  	[hbm4b:s25+s3] =	stream.linear.scatter [tilespmem:s24], [sflag:s21], $0x80, $0x38;
	[tilespmem:$0x12800] =	vst v63  }
0xb1: {  	s26 =	sadd.s32 $0x20, s22;
	s25 =	sadd.s32 $0x110, s23  }
0xb2: {  	[hbm4b:s26+s3] =	stream.linear.scatter [tilespmem:s25], [sflag:s21], $0x80, $0x38;
	[tilespmem:$0x12800] =	vst v63  }
0xb3: {  	s29 =	sadd.s32 $0x30, s22;
	s28 =	sadd.s32 $0x198, s23  }
0xb4: {  	[hbm4b:s29+s3] =	stream.linear.scatter [tilespmem:s28], [sflag:s21], $0x80, $0x38;
	[tilespmem:$0x12800] =	vst v63  }
0xb5: {  	s31 =	sadd.s32 $0x40, s22;
	s20 =	sadd.s32 $0x1, s20;
	s30 =	sadd.s32 $0x220, s23  }
0xb6: {  	[hbm4b:s31+s3] =	stream.linear.scatter [tilespmem:s30], [sflag:s21], $0x80, $0x38;
	[tilespmem:$0x12800] =	vst v63  }
0xb7: {  	p1 =	sne.s32 s20, $0xC8;
	s26 =	sadd.s32 $0x2A8, s23;
	s28 =	sadd.s32 $0x50, s22  }
0xb8: {  	[hbm4b:s28+s3] =	stream.linear.scatter [tilespmem:s26], [sflag:s21], $0x80, $0x38;
	[tilespmem:$0x12800] =	vst v63  }
.Ltmp2:
0xb9: {  	_ = 	snop;
	(pc) =	sbr.rel @p1 .LBB2_2-.Ltmp2, $4  }
0xba: {  	s19 =	sadd.s32 $0x1, s19;
	s29 =	sadd.s32 $0x330, s23;
	s30 =	sadd.s32 $0x60, s22  }
0xbb: {  	[hbm4b:s30+s3] =	stream.linear.scatter [tilespmem:s29], [sflag:s21], $0x80, $0x38;
	[tilespmem:$0x12800] =	vst v63  }
0xbc: {  	p0 =	por !p0, !p0;
	s23 =	sadd.s32 $0x3B8, s23;
	s31 =	sadd.s32 $0x70, s22  }
0xbd: {  	[hbm4b:s31+s3] =	stream.linear.scatter [tilespmem:s23], [sflag:s21], $0x80, $0x38;
	[tilespmem:$0x12800] =	vst v63  }
0xbe: {  	s18 =	sadd.s32 $0x1, s18  }
0xbf: {  	_ =	swait.ge [sflag:s16], $0x2000;
	p0 =	sne.s32 s18, s7  }
.Ltmp3:
0xc0: {  	[sflag:s16] =	ssyncset.done $0x0;
	(pc) =	sbr.rel @p0 .LBB2_1-.Ltmp3, $4  }
0xc1: {  	[sflag:s16] =	ssyncadd.s32 $0xFFFFE000  }
0xc2: {  	_ =	swait.ge [sflag:s17], $0x2000  }
0xc3: {  	[sflag:s17] =	ssyncset.done $0x0  }
0xc4: {  	[sflag:s17] =	ssyncadd.s32 $0xFFFFE000  }
0xc5: {  	_ =	sfence.sel $0x180000  }
0xc6: {  	[bflag:$0x0] =	sbarrier.arrive $0xFFFF  }
0xc7: {  	p0 =	sne.s32 s2, $0x0;
	_ =	strace $0x90000047  }
0xc8: {  	s0 =	sadd.s32 @!p0 $0x100000, s0;
	[bflag:$0x2] =	sbarrier.arrive $0xFFFF  }
0xc9: {  	[sflag:s0] =	ssyncadd.tile.s32 @!p0 $0x1;
	_ =	shalt  }
.Lfunc_end2:
_tile_overlayer_lowered:
.L_overlay_start_2:
0xca: {  	(tag) =	ssettag $0x2  }
0xcb: {  	s0 =	rddreg [dreg:$0x0];
	s2 =	stileid.u32  }
0xcc: {  	s1 =	rddreg [dreg:$0x1];
	p0 =	sne.s32 s2, $0x0  }
0xcd: {  	s3 =	rddreg [dreg:$0x2];
	[bflag:$0x3] =	sbarrier.arrive $0xFFFF;
	s2 =	simm.s32 @!p0 $0x1C07  }
0xce: {  	[timem:s3], [sflag:s2] =	dma.local @!p0 [hbm:s0], s1  }
0xcf: {  	s0 =	simm.s32 @!p0 $0x7  }
0xd0: {  	_ =	swait.ge @!p0 [sflag:s0], s1  }
0xd1: {  	s1 =	ssub.s32 @!p0 $0x0, s1;
	[sflag:s0] =	ssyncset.done @!p0 $0x0  }
0xd2: {  	[sflag:s0] =	ssyncadd.s32 @!p0 s1  }
0xd3: {  	[bflag:$0x3] =	sbarrier.arrive $0xFFFF  }
0xd4: {  	_ =	shalt  }

</sc_bundles>
